<compile_context>
chip_gen: v7x
topology: tpu7x:2x2x1
jax: 0.10.2.dev20260603
libtpu: 0.0.44.dev20260713+nightly
codegen_flags: <defaults>
</compile_context>

<pallas_src>
import functools

import jax
import jax.numpy as jnp
from jax import lax
from jax.experimental import pallas as pl
from jax.experimental.pallas import tpu as pltpu
from jax.experimental.pallas import tpu_sc as plsc

H = 128
NUM_WORKERS = 32
EDGE_BLOCK = 6400


def _sc_compose_indices(x, i, j):
    E = i.shape[0]
    N = x.shape[0]
    bpw = E // NUM_WORKERS
    mesh = plsc.VectorSubcoreMesh(core_axis_name="c", subcore_axis_name="s")

    @functools.partial(
        pl.kernel,
        mesh=mesh,
        out_type=(
            jax.ShapeDtypeStruct((E,), jnp.int32),
            jax.ShapeDtypeStruct((E,), jnp.int32),
        ),
        scratch_types=[
            pltpu.VMEM((N,), jnp.int32),
            pltpu.VMEM((bpw,), jnp.int32),
            pltpu.VMEM((bpw,), jnp.int32),
            pltpu.VMEM((bpw,), jnp.int32),
            pltpu.VMEM((bpw,), jnp.int32),
        ],
        compiler_params=pltpu.CompilerParams(needs_layout_passes=False),
    )
    def compose(x_hbm, i_hbm, j_hbm, xi_hbm, xj_hbm, xv, iv, jv, oi, oj):
        wid = lax.axis_index("s") * 2 + lax.axis_index("c")
        base = wid * bpw
        pltpu.sync_copy(x_hbm, xv)
        pltpu.sync_copy(i_hbm.at[pl.ds(base, bpw)], iv)
        pltpu.sync_copy(j_hbm.at[pl.ds(base, bpw)], jv)

        def body(e, carry):
            o = pl.multiple_of(e * 400, 400)
            for u in range(25):
                s = pl.ds(o + u * 16, 16)
                oi[s] = plsc.load_gather(xv, [iv[s]])
                oj[s] = plsc.load_gather(xv, [jv[s]])
            return carry

        lax.fori_loop(0, bpw // 400, body, 0)
        pltpu.sync_copy(oi, xi_hbm.at[pl.ds(base, bpw)])
        pltpu.sync_copy(oj, xj_hbm.at[pl.ds(base, bpw)])

    return compose(x, i, j)


def _g12_body(emb_ref, w12_ref, w3tb_ref, out_ref):
    g12 = jnp.dot(emb_ref[...], w12_ref[...],
                  preferred_element_type=jnp.float32)
    out_ref[0:H] = w3tb_ref[...]
    out_ref[H:2 * H] = g12[:, :H].astype(jnp.bfloat16)
    out_ref[2 * H:3 * H] = g12[:, H:].astype(jnp.bfloat16)


def _tc_body(rbft_ref, xi_ref, xj_ref, wall_ref, w0t_ref,
             w1rt_ref, b0t_ref, bl_ref, e1_ref, e2_ref):
    B = rbft_ref.shape[1]
    rbft_b = rbft_ref[...]
    r0t = lax.dot_general(w0t_ref[...], rbft_b, (((0,), (0,)), ((), ())),
                          preferred_element_type=jnp.float32) + b0t_ref[...]
    r0t = r0t * jax.nn.sigmoid(r0t)

    iot = lax.broadcasted_iota(jnp.int32, (H, B), 0)
    ohi = (iot == xi_ref[0]).astype(jnp.bfloat16)
    ohj = (iot == xj_ref[0]).astype(jnp.bfloat16)
    lhs = jnp.concatenate([r0t.astype(jnp.bfloat16), ohi, ohj], axis=0)
    pre = lax.dot_general(lhs, wall_ref[...], (((0,), (0,)), ((), ())),
                          preferred_element_type=jnp.float32) + bl_ref[...]
    e1 = pre * jax.nn.sigmoid(pre)
    e2 = lax.dot_general(rbft_b, w1rt_ref[...], (((0,), (0,)), ((), ())),
                         preferred_element_type=jnp.float32) * e1
    e1_ref[...] = e1
    e2_ref[...] = e2


def _tc_mlp(rbft, xi3, xj3, emb_pad, w12, w3tb, w0t, w1rt, b0t, bl):
    R, E = rbft.shape
    B = EDGE_BLOCK
    nb = E // B
    wall = pl.pallas_call(
        _g12_body,
        out_shape=jax.ShapeDtypeStruct((3 * H, H), jnp.bfloat16),
    )(emb_pad, w12, w3tb)
    full = lambda shape: pl.BlockSpec(shape, lambda b: (0,) * len(shape))
    return pl.pallas_call(
        _tc_body,
        grid=(nb,),
        in_specs=[
            pl.BlockSpec((R, B), lambda b: (0, b)),
            pl.BlockSpec((1, 1, B), lambda b: (b, 0, 0)),
            pl.BlockSpec((1, 1, B), lambda b: (b, 0, 0)),
            full((3 * H, H)),
            full((R, H)),
            full((R, H)),
            full((H, 1)),
            full((1, H)),
        ],
        out_specs=[
            pl.BlockSpec((B, H), lambda b: (b, 0)),
            pl.BlockSpec((B, H), lambda b: (b, 0)),
        ],
        out_shape=[
            jax.ShapeDtypeStruct((E, H), jnp.float32),
            jax.ShapeDtypeStruct((E, H), jnp.float32),
        ],
        compiler_params=pltpu.CompilerParams(
            dimension_semantics=("parallel",),
        ),
    )(rbft, xi3, xj3, wall, w0t, w1rt, b0t, bl)


def kernel(x, rbf, i, j, emb_w, W_rbf0, b_rbf0, W_lin, b_lin, W_rbf1):
    E, R = rbf.shape
    B = EDGE_BLOCK
    nb = E // B
    x = x.astype(jnp.int32)
    i = i.astype(jnp.int32)
    j = j.astype(jnp.int32)

    xi, xj = _sc_compose_indices(x, i, j)

    xi3 = xi.reshape(nb, 1, B)
    xj3 = xj.reshape(nb, 1, B)
    emb_pad = jnp.zeros((H, H), jnp.float32).at[: emb_w.shape[0]].set(emb_w)
    w12 = jnp.concatenate([W_lin[:, :H].T, W_lin[:, H:2 * H].T], axis=1)
    w3tb = W_lin[:, 2 * H:].T.astype(jnp.bfloat16)
    w0t = W_rbf0.T
    w1rt = W_rbf1.T
    b0t = b_rbf0.reshape(H, 1)
    bl = b_lin.reshape(1, H)
    rbft = rbf.T

    e1, e2 = _tc_mlp(rbft, xi3, xj3, emb_pad, w12, w3tb, w0t, w1rt, b0t, bl)
    return (e1, e2)

# --- scband reference (transcript-rebuilt; emitter-appended) ---
"""Pipeline reference for scband-init-50448685859053 (READ-ONLY COPY).

The authoritative reference and input builder live on the scoring server;
editing this copy changes nothing except your own understanding.
"""

import jax, jax.numpy as jnp
import numpy as np

def swish(v):
    return v * jax.nn.sigmoid(v)

def setup_inputs(seed: int = 0) -> dict:
    key = jax.random.key(seed)
    N, E, R, H = 10000, 320000, 6, 128
    ks = jax.random.split(key, 10)
    x = jax.random.randint(ks[0], (N,), 0, 95)
    rbf = jax.random.normal(ks[1], (E, R), dtype=jnp.float32)
    i = jax.random.randint(ks[2], (E,), 0, N)
    j = jax.random.randint(ks[3], (E,), 0, N)
    # learned parameters
    emb_w = jax.random.uniform(ks[4], (95, H), dtype=jnp.float32, minval=-np.sqrt(3.0), maxval=np.sqrt(3.0))
    W_rbf0 = jax.random.normal(ks[5], (H, R), dtype=jnp.float32) * (1.0 / np.sqrt(R))
    b_rbf0 = jnp.zeros((H,), dtype=jnp.float32)
    W_lin = jax.random.normal(ks[6], (H, 3 * H), dtype=jnp.float32) * (1.0 / np.sqrt(3 * H))
    b_lin = jnp.zeros((H,), dtype=jnp.float32)
    W_rbf1 = jax.random.normal(ks[7], (H, R), dtype=jnp.float32) * np.sqrt(2.0 / R)  # glorot_orthogonal approx scale
    return {"x": x, "rbf": rbf, "i": i, "j": j, "emb_w": emb_w, "W_rbf0": W_rbf0, "b_rbf0": b_rbf0, "W_lin": W_lin, "b_lin": b_lin, "W_rbf1": W_rbf1}

def reference(x, rbf, i, j, emb_w, W_rbf0, b_rbf0, W_lin, b_lin, W_rbf1):
    # node embedding lookup (use_node_features=True)
    h = jnp.take(emb_w, x, axis=0)            # [N, H]
    rbf0 = swish(rbf @ W_rbf0.T + b_rbf0)      # [E, H]
    cat = jnp.concatenate([jnp.take(h, i, axis=0), jnp.take(h, j, axis=0), rbf0], axis=-1)  # [E, 3H]
    e1 = swish(cat @ W_lin.T + b_lin)          # [E, H]
    e2 = (rbf @ W_rbf1.T) * e1                 # [E, H]
    return (e1, e2)

if __name__ == "__main__":
    import jax
    _d = setup_inputs()
    print(jax.jit(kernel)(*tuple(_d.values())))

</pallas_src>

<mosaic_0001>
#map = affine_map<(d0, d1) -> (0)>
module attributes {stable_mosaic.version = 14 : i64} {
  func.func @compose(%arg0: i32, %arg1: i32, %arg2: memref<10000xi32, #tpu.memory_space<hbm>>, %arg3: memref<320000xi32, #tpu.memory_space<hbm>>, %arg4: memref<320000xi32, #tpu.memory_space<hbm>>, %arg5: memref<320000xi32, #tpu.memory_space<hbm>>, %arg6: memref<320000xi32, #tpu.memory_space<hbm>>, %arg7: memref<10000xi32, #tpu.memory_space<vmem>>, %arg8: memref<10000xi32, #tpu.memory_space<vmem>>, %arg9: memref<10000xi32, #tpu.memory_space<vmem>>, %arg10: memref<10000xi32, #tpu.memory_space<vmem>>, %arg11: memref<10000xi32, #tpu.memory_space<vmem>>) attributes {dimension_semantics = [#tpu.dimension_semantics<core_parallel>, #tpu.dimension_semantics<subcore_parallel>], iteration_bounds = array<i64: 2, 16>, scalar_prefetch = 0 : i64, scratch_operands = 5 : i64, tpu.core_type = #tpu.core_type<sc_vector_subcore>, window_params = [{transform_indices = #map}, {transform_indices = #map}, {transform_indices = #map}, {transform_indices = #map}, {transform_indices = #map}]} {
    %mul3A = arith.constant 2 : i32
    %mul3A_0 = arith.muli %arg1, %mul3A : i32
    %add3A = arith.addi %mul3A_0, %arg0 : i32
    %mul3A_1 = arith.constant 10000 : i32
    %mul3A_2 = arith.muli %add3A, %mul3A_1 : i32
    "tpu.region"() ({
      %run_scoped3A = tpu.sem_alloc : memref<!tpu.dma_semaphore, #tpu.memory_space<semaphore_mem>>
      tpu.enqueue_dma source(%arg2 : memref<10000xi32, #tpu.memory_space<hbm>>) target(%arg7 : memref<10000xi32, #tpu.memory_space<vmem>>) target_semaphore(%run_scoped3A : memref<!tpu.dma_semaphore, #tpu.memory_space<semaphore_mem>>)
      tpu.wait_dma2 semaphore(%run_scoped3A : memref<!tpu.dma_semaphore, #tpu.memory_space<semaphore_mem>>) src(%arg2 : memref<10000xi32, #tpu.memory_space<hbm>>) dst(%arg7 : memref<10000xi32, #tpu.memory_space<vmem>>)
      tpu.yield
    }) : () -> ()
    "tpu.region"() ({
      %run_scoped3A = tpu.sem_alloc : memref<!tpu.dma_semaphore, #tpu.memory_space<semaphore_mem>>
      %dma_start3A = tpu.memref_slice %arg3[%mul3A_2] : memref<320000xi32, #tpu.memory_space<hbm>> -> memref<10000xi32, #tpu.memory_space<hbm>>
      %dma_start3A_8 = tpu.memref_slice %arg3[%mul3A_2] : memref<320000xi32, #tpu.memory_space<hbm>> -> memref<10000xi32, #tpu.memory_space<hbm>>
      tpu.enqueue_dma source(%dma_start3A_8 : memref<10000xi32, #tpu.memory_space<hbm>>) target(%arg8 : memref<10000xi32, #tpu.memory_space<vmem>>) target_semaphore(%run_scoped3A : memref<!tpu.dma_semaphore, #tpu.memory_space<semaphore_mem>>)
      %dma_wait3A = tpu.memref_slice %arg3[%mul3A_2] : memref<320000xi32, #tpu.memory_space<hbm>> -> memref<10000xi32, #tpu.memory_space<hbm>>
      %dma_wait3A_9 = tpu.memref_slice %arg3[%mul3A_2] : memref<320000xi32, #tpu.memory_space<hbm>> -> memref<10000xi32, #tpu.memory_space<hbm>>
      tpu.wait_dma2 semaphore(%run_scoped3A : memref<!tpu.dma_semaphore, #tpu.memory_space<semaphore_mem>>) src(%dma_wait3A_9 : memref<10000xi32, #tpu.memory_space<hbm>>) dst(%arg8 : memref<10000xi32, #tpu.memory_space<vmem>>)
      tpu.yield
    }) : () -> ()
    "tpu.region"() ({
      %run_scoped3A = tpu.sem_alloc : memref<!tpu.dma_semaphore, #tpu.memory_space<semaphore_mem>>
      %dma_start3A = tpu.memref_slice %arg4[%mul3A_2] : memref<320000xi32, #tpu.memory_space<hbm>> -> memref<10000xi32, #tpu.memory_space<hbm>>
      %dma_start3A_8 = tpu.memref_slice %arg4[%mul3A_2] : memref<320000xi32, #tpu.memory_space<hbm>> -> memref<10000xi32, #tpu.memory_space<hbm>>
      tpu.enqueue_dma source(%dma_start3A_8 : memref<10000xi32, #tpu.memory_space<hbm>>) target(%arg9 : memref<10000xi32, #tpu.memory_space<vmem>>) target_semaphore(%run_scoped3A : memref<!tpu.dma_semaphore, #tpu.memory_space<semaphore_mem>>)
      %dma_wait3A = tpu.memref_slice %arg4[%mul3A_2] : memref<320000xi32, #tpu.memory_space<hbm>> -> memref<10000xi32, #tpu.memory_space<hbm>>
      %dma_wait3A_9 = tpu.memref_slice %arg4[%mul3A_2] : memref<320000xi32, #tpu.memory_space<hbm>> -> memref<10000xi32, #tpu.memory_space<hbm>>
      tpu.wait_dma2 semaphore(%run_scoped3A : memref<!tpu.dma_semaphore, #tpu.memory_space<semaphore_mem>>) src(%dma_wait3A_9 : memref<10000xi32, #tpu.memory_space<hbm>>) dst(%arg9 : memref<10000xi32, #tpu.memory_space<vmem>>)
      tpu.yield
    }) : () -> ()
    %scan3A = arith.constant 0 : i32
    %scan3A_3 = arith.constant 0 : i32
    %scan3A_4 = arith.constant 25 : i32
    %scan3A_5 = arith.addi %scan3A_3, %scan3A_4 : i32
    %scan3A_6 = arith.constant 1 : i32
    scf.for %scan3A_8 = %scan3A_3 to %scan3A_5 step %scan3A_6  : i32 {
      %mul3A_9 = arith.constant 400 : i32
      %mul3A_10 = arith.muli %scan3A_8, %mul3A_9 : i32
      %multiple_of3A = tpu.assume_multiple %mul3A_10, 400 : i32
      %add3A_11 = arith.constant 0 : i32
      %add3A_12 = arith.addi %multiple_of3A, %add3A_11 : i32
      %get3A = arith.index_cast %add3A_12 : i32 to index
      %get3A_13 = tpu.vector_load %arg8[%get3A] {strides = array<i32>} : memref<10000xi32, #tpu.memory_space<vmem>>, vector<16xi32>,
      %gather3A = tpu.vector_load_idx %arg7[%get3A_13] : memref<10000xi32, #tpu.memory_space<vmem>>[vector<16xi32>], vector<16xi32>,
      %swap3A = arith.index_cast %add3A_12 : i32 to index
      %swap3A_14 = tpu.vector_load %arg10[%swap3A] {strides = array<i32>} : memref<10000xi32, #tpu.memory_space<vmem>>, vector<16xi32>,
      tpu.vector_store %arg10[%swap3A], %gather3A {strides = array<i32>} : memref<10000xi32, #tpu.memory_space<vmem>>, vector<16xi32>,
      %get3A_15 = arith.index_cast %add3A_12 : i32 to index
      %get3A_16 = tpu.vector_load %arg9[%get3A_15] {strides = array<i32>} : memref<10000xi32, #tpu.memory_space<vmem>>, vector<16xi32>,
      %gather3A_17 = tpu.vector_load_idx %arg7[%get3A_16] : memref<10000xi32, #tpu.memory_space<vmem>>[vector<16xi32>], vector<16xi32>,
      %swap3A_18 = arith.index_cast %add3A_12 : i32 to index
      %swap3A_19 = tpu.vector_load %arg11[%swap3A_18] {strides = array<i32>} : memref<10000xi32, #tpu.memory_space<vmem>>, vector<16xi32>,
      tpu.vector_store %arg11[%swap3A_18], %gather3A_17 {strides = array<i32>} : memref<10000xi32, #tpu.memory_space<vmem>>, vector<16xi32>,
      %add3A_20 = arith.constant 16 : i32
      %add3A_21 = arith.addi %multiple_of3A, %add3A_20 : i32
      %get3A_22 = arith.index_cast %add3A_21 : i32 to index
      %get3A_23 = tpu.vector_load %arg8[%get3A_22] {strides = array<i32>} : memref<10000xi32, #tpu.memory_space<vmem>>, vector<16xi32>,
      %gather3A_24 = tpu.vector_load_idx %arg7[%get3A_23] : memref<10000xi32, #tpu.memory_space<vmem>>[vector<16xi32>], vector<16xi32>,
      %swap3A_25 = arith.index_cast %add3A_21 : i32 to index
      %swap3A_26 = tpu.vector_load %arg10[%swap3A_25] {strides = array<i32>} : memref<10000xi32, #tpu.memory_space<vmem>>, vector<16xi32>,
      tpu.vector_store %arg10[%swap3A_25], %gather3A_24 {strides = array<i32>} : memref<10000xi32, #tpu.memory_space<vmem>>, vector<16xi32>,
      %get3A_27 = arith.index_cast %add3A_21 : i32 to index
      %get3A_28 = tpu.vector_load %arg9[%get3A_27] {strides = array<i32>} : memref<10000xi32, #tpu.memory_space<vmem>>, vector<16xi32>,
      %gather3A_29 = tpu.vector_load_idx %arg7[%get3A_28] : memref<10000xi32, #tpu.memory_space<vmem>>[vector<16xi32>], vector<16xi32>,
      %swap3A_30 = arith.index_cast %add3A_21 : i32 to index
      %swap3A_31 = tpu.vector_load %arg11[%swap3A_30] {strides = array<i32>} : memref<10000xi32, #tpu.memory_space<vmem>>, vector<16xi32>,
      tpu.vector_store %arg11[%swap3A_30], %gather3A_29 {strides = array<i32>} : memref<10000xi32, #tpu.memory_space<vmem>>, vector<16xi32>,
      %add3A_32 = arith.constant 32 : i32
      %add3A_33 = arith.addi %multiple_of3A, %add3A_32 : i32
      %get3A_34 = arith.index_cast %add3A_33 : i32 to index
      %get3A_35 = tpu.vector_load %arg8[%get3A_34] {strides = array<i32>} : memref<10000xi32, #tpu.memory_space<vmem>>, vector<16xi32>,
      %gather3A_36 = tpu.vector_load_idx %arg7[%get3A_35] : memref<10000xi32, #tpu.memory_space<vmem>>[vector<16xi32>], vector<16xi32>,
      %swap3A_37 = arith.index_cast %add3A_33 : i32 to index
      %swap3A_38 = tpu.vector_load %arg10[%swap3A_37] {strides = array<i32>} : memref<10000xi32, #tpu.memory_space<vmem>>, vector<16xi32>,
      tpu.vector_store %arg10[%swap3A_37], %gather3A_36 {strides = array<i32>} : memref<10000xi32, #tpu.memory_space<vmem>>, vector<16xi32>,
      %get3A_39 = arith.index_cast %add3A_33 : i32 to index
      %get3A_40 = tpu.vector_load %arg9[%get3A_39] {strides = array<i32>} : memref<10000xi32, #tpu.memory_space<vmem>>, vector<16xi32>,
      %gather3A_41 = tpu.vector_load_idx %arg7[%get3A_40] : memref<10000xi32, #tpu.memory_space<vmem>>[vector<16xi32>], vector<16xi32>,
      %swap3A_42 = arith.index_cast %add3A_33 : i32 to index
      %swap3A_43 = tpu.vector_load %arg11[%swap3A_42] {strides = array<i32>} : memref<10000xi32, #tpu.memory_space<vmem>>, vector<16xi32>,
      tpu.vector_store %arg11[%swap3A_42], %gather3A_41 {strides = array<i32>} : memref<10000xi32, #tpu.memory_space<vmem>>, vector<16xi32>,
      %add3A_44 = arith.constant 48 : i32
      %add3A_45 = arith.addi %multiple_of3A, %add3A_44 : i32
      %get3A_46 = arith.index_cast %add3A_45 : i32 to index
      %get3A_47 = tpu.vector_load %arg8[%get3A_46] {strides = array<i32>} : memref<10000xi32, #tpu.memory_space<vmem>>, vector<16xi32>,
      %gather3A_48 = tpu.vector_load_idx %arg7[%get3A_47] : memref<10000xi32, #tpu.memory_space<vmem>>[vector<16xi32>], vector<16xi32>,
      %swap3A_49 = arith.index_cast %add3A_45 : i32 to index
      %swap3A_50 = tpu.vector_load %arg10[%swap3A_49] {strides = array<i32>} : memref<10000xi32, #tpu.memory_space<vmem>>, vector<16xi32>,
      tpu.vector_store %arg10[%swap3A_49], %gather3A_48 {strides = array<i32>} : memref<10000xi32, #tpu.memory_space<vmem>>, vector<16xi32>,
      %get3A_51 = arith.index_cast %add3A_45 : i32 to index
      %get3A_52 = tpu.vector_load %arg9[%get3A_51] {strides = array<i32>} : memref<10000xi32, #tpu.memory_space<vmem>>, vector<16xi32>,
      %gather3A_53 = tpu.vector_load_idx %arg7[%get3A_52] : memref<10000xi32, #tpu.memory_space<vmem>>[vector<16xi32>], vector<16xi32>,
      %swap3A_54 = arith.index_cast %add3A_45 : i32 to index
      %swap3A_55 = tpu.vector_load %arg11[%swap3A_54] {strides = array<i32>} : memref<10000xi32, #tpu.memory_space<vmem>>, vector<16xi32>,
      tpu.vector_store %arg11[%swap3A_54], %gather3A_53 {strides = array<i32>} : memref<10000xi32, #tpu.memory_space<vmem>>, vector<16xi32>,
      %add3A_56 = arith.constant 64 : i32
      %add3A_57 = arith.addi %multiple_of3A, %add3A_56 : i32
      %get3A_58 = arith.index_cast %add3A_57 : i32 to index
      %get3A_59 = tpu.vector_load %arg8[%get3A_58] {strides = array<i32>} : memref<10000xi32, #tpu.memory_space<vmem>>, vector<16xi32>,
      %gather3A_60 = tpu.vector_load_idx %arg7[%get3A_59] : memref<10000xi32, #tpu.memory_space<vmem>>[vector<16xi32>], vector<16xi32>,
      %swap3A_61 = arith.index_cast %add3A_57 : i32 to index
      %swap3A_62 = tpu.vector_load %arg10[%swap3A_61] {strides = array<i32>} : memref<10000xi32, #tpu.memory_space<vmem>>, vector<16xi32>,
      tpu.vector_store %arg10[%swap3A_61], %gather3A_60 {strides = array<i32>} : memref<10000xi32, #tpu.memory_space<vmem>>, vector<16xi32>,
      %get3A_63 = arith.index_cast %add3A_57 : i32 to index
      %get3A_64 = tpu.vector_load %arg9[%get3A_63] {strides = array<i32>} : memref<10000xi32, #tpu.memory_space<vmem>>, vector<16xi32>,
      %gather3A_65 = tpu.vector_load_idx %arg7[%get3A_64] : memref<10000xi32, #tpu.memory_space<vmem>>[vector<16xi32>], vector<16xi32>,
      %swap3A_66 = arith.index_cast %add3A_57 : i32 to index
      %swap3A_67 = tpu.vector_load %arg11[%swap3A_66] {strides = array<i32>} : memref<10000xi32, #tpu.memory_space<vmem>>, vector<16xi32>,
      tpu.vector_store %arg11[%swap3A_66], %gather3A_65 {strides = array<i32>} : memref<10000xi32, #tpu.memory_space<vmem>>, vector<16xi32>,
      %add3A_68 = arith.constant 80 : i32
      %add3A_69 = arith.addi %multiple_of3A, %add3A_68 : i32
      %get3A_70 = arith.index_cast %add3A_69 : i32 to index
      %get3A_71 = tpu.vector_load %arg8[%get3A_70] {strides = array<i32>} : memref<10000xi32, #tpu.memory_space<vmem>>, vector<16xi32>,
      %gather3A_72 = tpu.vector_load_idx %arg7[%get3A_71] : memref<10000xi32, #tpu.memory_space<vmem>>[vector<16xi32>], vector<16xi32>,
      %swap3A_73 = arith.index_cast %add3A_69 : i32 to index
      %swap3A_74 = tpu.vector_load %arg10[%swap3A_73] {strides = array<i32>} : memref<10000xi32, #tpu.memory_space<vmem>>, vector<16xi32>,
      tpu.vector_store %arg10[%swap3A_73], %gather3A_72 {strides = array<i32>} : memref<10000xi32, #tpu.memory_space<vmem>>, vector<16xi32>,
      %get3A_75 = arith.index_cast %add3A_69 : i32 to index
      %get3A_76 = tpu.vector_load %arg9[%get3A_75] {strides = array<i32>} : memref<10000xi32, #tpu.memory_space<vmem>>, vector<16xi32>,
      %gather3A_77 = tpu.vector_load_idx %arg7[%get3A_76] : memref<10000xi32, #tpu.memory_space<vmem>>[vector<16xi32>], vector<16xi32>,
      %swap3A_78 = arith.index_cast %add3A_69 : i32 to index
      %swap3A_79 = tpu.vector_load %arg11[%swap3A_78] {strides = array<i32>} : memref<10000xi32, #tpu.memory_space<vmem>>, vector<16xi32>,
      tpu.vector_store %arg11[%swap3A_78], %gather3A_77 {strides = array<i32>} : memref<10000xi32, #tpu.memory_space<vmem>>, vector<16xi32>,
      %add3A_80 = arith.constant 96 : i32
      %add3A_81 = arith.addi %multiple_of3A, %add3A_80 : i32
      %get3A_82 = arith.index_cast %add3A_81 : i32 to index
      %get3A_83 = tpu.vector_load %arg8[%get3A_82] {strides = array<i32>} : memref<10000xi32, #tpu.memory_space<vmem>>, vector<16xi32>,
      %gather3A_84 = tpu.vector_load_idx %arg7[%get3A_83] : memref<10000xi32, #tpu.memory_space<vmem>>[vector<16xi32>], vector<16xi32>,
      %swap3A_85 = arith.index_cast %add3A_81 : i32 to index
      %swap3A_86 = tpu.vector_load %arg10[%swap3A_85] {strides = array<i32>} : memref<10000xi32, #tpu.memory_space<vmem>>, vector<16xi32>,
      tpu.vector_store %arg10[%swap3A_85], %gather3A_84 {strides = array<i32>} : memref<10000xi32, #tpu.memory_space<vmem>>, vector<16xi32>,
      %get3A_87 = arith.index_cast %add3A_81 : i32 to index
      %get3A_88 = tpu.vector_load %arg9[%get3A_87] {strides = array<i32>} : memref<10000xi32, #tpu.memory_space<vmem>>, vector<16xi32>,
      %gather3A_89 = tpu.vector_load_idx %arg7[%get3A_88] : memref<10000xi32, #tpu.memory_space<vmem>>[vector<16xi32>], vector<16xi32>,
      %swap3A_90 = arith.index_cast %add3A_81 : i32 to index
      %swap3A_91 = tpu.vector_load %arg11[%swap3A_90] {strides = array<i32>} : memref<10000xi32, #tpu.memory_space<vmem>>, vector<16xi32>,
      tpu.vector_store %arg11[%swap3A_90], %gather3A_89 {strides = array<i32>} : memref<10000xi32, #tpu.memory_space<vmem>>, vector<16xi32>,
      %add3A_92 = arith.constant 112 : i32
      %add3A_93 = arith.addi %multiple_of3A, %add3A_92 : i32
      %get3A_94 = arith.index_cast %add3A_93 : i32 to index
      %get3A_95 = tpu.vector_load %arg8[%get3A_94] {strides = array<i32>} : memref<10000xi32, #tpu.memory_space<vmem>>, vector<16xi32>,
      %gather3A_96 = tpu.vector_load_idx %arg7[%get3A_95] : memref<10000xi32, #tpu.memory_space<vmem>>[vector<16xi32>], vector<16xi32>,
      %swap3A_97 = arith.index_cast %add3A_93 : i32 to index
      %swap3A_98 = tpu.vector_load %arg10[%swap3A_97] {strides = array<i32>} : memref<10000xi32, #tpu.memory_space<vmem>>, vector<16xi32>,
      tpu.vector_store %arg10[%swap3A_97], %gather3A_96 {strides = array<i32>} : memref<10000xi32, #tpu.memory_space<vmem>>, vector<16xi32>,
      %get3A_99 = arith.index_cast %add3A_93 : i32 to index
      %get3A_100 = tpu.vector_load %arg9[%get3A_99] {strides = array<i32>} : memref<10000xi32, #tpu.memory_space<vmem>>, vector<16xi32>,
      %gather3A_101 = tpu.vector_load_idx %arg7[%get3A_100] : memref<10000xi32, #tpu.memory_space<vmem>>[vector<16xi32>], vector<16xi32>,
      %swap3A_102 = arith.index_cast %add3A_93 : i32 to index
      %swap3A_103 = tpu.vector_load %arg11[%swap3A_102] {strides = array<i32>} : memref<10000xi32, #tpu.memory_space<vmem>>, vector<16xi32>,
      tpu.vector_store %arg11[%swap3A_102], %gather3A_101 {strides = array<i32>} : memref<10000xi32, #tpu.memory_space<vmem>>, vector<16xi32>,
      %add3A_104 = arith.constant 128 : i32
      %add3A_105 = arith.addi %multiple_of3A, %add3A_104 : i32
      %get3A_106 = arith.index_cast %add3A_105 : i32 to index
      %get3A_107 = tpu.vector_load %arg8[%get3A_106] {strides = array<i32>} : memref<10000xi32, #tpu.memory_space<vmem>>, vector<16xi32>,
      %gather3A_108 = tpu.vector_load_idx %arg7[%get3A_107] : memref<10000xi32, #tpu.memory_space<vmem>>[vector<16xi32>], vector<16xi32>,
      %swap3A_109 = arith.index_cast %add3A_105 : i32 to index
      %swap3A_110 = tpu.vector_load %arg10[%swap3A_109] {strides = array<i32>} : memref<10000xi32, #tpu.memory_space<vmem>>, vector<16xi32>,
      tpu.vector_store %arg10[%swap3A_109], %gather3A_108 {strides = array<i32>} : memref<10000xi32, #tpu.memory_space<vmem>>, vector<16xi32>,
      %get3A_111 = arith.index_cast %add3A_105 : i32 to index
      %get3A_112 = tpu.vector_load %arg9[%get3A_111] {strides = array<i32>} : memref<10000xi32, #tpu.memory_space<vmem>>, vector<16xi32>,
      %gather3A_113 = tpu.vector_load_idx %arg7[%get3A_112] : memref<10000xi32, #tpu.memory_space<vmem>>[vector<16xi32>], vector<16xi32>,
      %swap3A_114 = arith.index_cast %add3A_105 : i32 to index
      %swap3A_115 = tpu.vector_load %arg11[%swap3A_114] {strides = array<i32>} : memref<10000xi32, #tpu.memory_space<vmem>>, vector<16xi32>,
      tpu.vector_store %arg11[%swap3A_114], %gather3A_113 {strides = array<i32>} : memref<10000xi32, #tpu.memory_space<vmem>>, vector<16xi32>,
      %add3A_116 = arith.constant 144 : i32
      %add3A_117 = arith.addi %multiple_of3A, %add3A_116 : i32
      %get3A_118 = arith.index_cast %add3A_117 : i32 to index
      %get3A_119 = tpu.vector_load %arg8[%get3A_118] {strides = array<i32>} : memref<10000xi32, #tpu.memory_space<vmem>>, vector<16xi32>,
      %gather3A_120 = tpu.vector_load_idx %arg7[%get3A_119] : memref<10000xi32, #tpu.memory_space<vmem>>[vector<16xi32>], vector<16xi32>,
      %swap3A_121 = arith.index_cast %add3A_117 : i32 to index
      %swap3A_122 = tpu.vector_load %arg10[%swap3A_121] {strides = array<i32>} : memref<10000xi32, #tpu.memory_space<vmem>>, vector<16xi32>,
      tpu.vector_store %arg10[%swap3A_121], %gather3A_120 {strides = array<i32>} : memref<10000xi32, #tpu.memory_space<vmem>>, vector<16xi32>,
      %get3A_123 = arith.index_cast %add3A_117 : i32 to index
      %get3A_124 = tpu.vector_load %arg9[%get3A_123] {strides = array<i32>} : memref<10000xi32, #tpu.memory_space<vmem>>, vector<16xi32>,
      %gather3A_125 = tpu.vector_load_idx %arg7[%get3A_124] : memref<10000xi32, #tpu.memory_space<vmem>>[vector<16xi32>], vector<16xi32>,
      %swap3A_126 = arith.index_cast %add3A_117 : i32 to index
      %swap3A_127 = tpu.vector_load %arg11[%swap3A_126] {strides = array<i32>} : memref<10000xi32, #tpu.memory_space<vmem>>, vector<16xi32>,
      tpu.vector_store %arg11[%swap3A_126], %gather3A_125 {strides = array<i32>} : memref<10000xi32, #tpu.memory_space<vmem>>, vector<16xi32>,
      %add3A_128 = arith.constant 160 : i32
      %add3A_129 = arith.addi %multiple_of3A, %add3A_128 : i32
      %get3A_130 = arith.index_cast %add3A_129 : i32 to index
      %get3A_131 = tpu.vector_load %arg8[%get3A_130] {strides = array<i32>} : memref<10000xi32, #tpu.memory_space<vmem>>, vector<16xi32>,
      %gather3A_132 = tpu.vector_load_idx %arg7[%get3A_131] : memref<10000xi32, #tpu.memory_space<vmem>>[vector<16xi32>], vector<16xi32>,
      %swap3A_133 = arith.index_cast %add3A_129 : i32 to index
      %swap3A_134 = tpu.vector_load %arg10[%swap3A_133] {strides = array<i32>} : memref<10000xi32, #tpu.memory_space<vmem>>, vector<16xi32>,
      tpu.vector_store %arg10[%swap3A_133], %gather3A_132 {strides = array<i32>} : memref<10000xi32, #tpu.memory_space<vmem>>, vector<16xi32>,
      %get3A_135 = arith.index_cast %add3A_129 : i32 to index
      %get3A_136 = tpu.vector_load %arg9[%get3A_135] {strides = array<i32>} : memref<10000xi32, #tpu.memory_space<vmem>>, vector<16xi32>,
      %gather3A_137 = tpu.vector_load_idx %arg7[%get3A_136] : memref<10000xi32, #tpu.memory_space<vmem>>[vector<16xi32>], vector<16xi32>,
      %swap3A_138 = arith.index_cast %add3A_129 : i32 to index
      %swap3A_139 = tpu.vector_load %arg11[%swap3A_138] {strides = array<i32>} : memref<10000xi32, #tpu.memory_space<vmem>>, vector<16xi32>,
      tpu.vector_store %arg11[%swap3A_138], %gather3A_137 {strides = array<i32>} : memref<10000xi32, #tpu.memory_space<vmem>>, vector<16xi32>,
      %add3A_140 = arith.constant 176 : i32
      %add3A_141 = arith.addi %multiple_of3A, %add3A_140 : i32
      %get3A_142 = arith.index_cast %add3A_141 : i32 to index
      %get3A_143 = tpu.vector_load %arg8[%get3A_142] {strides = array<i32>} : memref<10000xi32, #tpu.memory_space<vmem>>, vector<16xi32>,
      %gather3A_144 = tpu.vector_load_idx %arg7[%get3A_143] : memref<10000xi32, #tpu.memory_space<vmem>>[vector<16xi32>], vector<16xi32>,
      %swap3A_145 = arith.index_cast %add3A_141 : i32 to index
      %swap3A_146 = tpu.vector_load %arg10[%swap3A_145] {strides = array<i32>} : memref<10000xi32, #tpu.memory_space<vmem>>, vector<16xi32>,
      tpu.vector_store %arg10[%swap3A_145], %gather3A_144 {strides = array<i32>} : memref<10000xi32, #tpu.memory_space<vmem>>, vector<16xi32>,
      %get3A_147 = arith.index_cast %add3A_141 : i32 to index
      %get3A_148 = tpu.vector_load %arg9[%get3A_147] {strides = array<i32>} : memref<10000xi32, #tpu.memory_space<vmem>>, vector<16xi32>,
      %gather3A_149 = tpu.vector_load_idx %arg7[%get3A_148] : memref<10000xi32, #tpu.memory_space<vmem>>[vector<16xi32>], vector<16xi32>,
      %swap3A_150 = arith.index_cast %add3A_141 : i32 to index
      %swap3A_151 = tpu.vector_load %arg11[%swap3A_150] {strides = array<i32>} : memref<10000xi32, #tpu.memory_space<vmem>>, vector<16xi32>,
      tpu.vector_store %arg11[%swap3A_150], %gather3A_149 {strides = array<i32>} : memref<10000xi32, #tpu.memory_space<vmem>>, vector<16xi32>,
      %add3A_152 = arith.constant 192 : i32
      %add3A_153 = arith.addi %multiple_of3A, %add3A_152 : i32
      %get3A_154 = arith.index_cast %add3A_153 : i32 to index
      %get3A_155 = tpu.vector_load %arg8[%get3A_154] {strides = array<i32>} : memref<10000xi32, #tpu.memory_space<vmem>>, vector<16xi32>,
      %gather3A_156 = tpu.vector_load_idx %arg7[%get3A_155] : memref<10000xi32, #tpu.memory_space<vmem>>[vector<16xi32>], vector<16xi32>,
      %swap3A_157 = arith.index_cast %add3A_153 : i32 to index
      %swap3A_158 = tpu.vector_load %arg10[%swap3A_157] {strides = array<i32>} : memref<10000xi32, #tpu.memory_space<vmem>>, vector<16xi32>,
      tpu.vector_store %arg10[%swap3A_157], %gather3A_156 {strides = array<i32>} : memref<10000xi32, #tpu.memory_space<vmem>>, vector<16xi32>,
      %get3A_159 = arith.index_cast %add3A_153 : i32 to index
      %get3A_160 = tpu.vector_load %arg9[%get3A_159] {strides = array<i32>} : memref<10000xi32, #tpu.memory_space<vmem>>, vector<16xi32>,
      %gather3A_161 = tpu.vector_load_idx %arg7[%get3A_160] : memref<10000xi32, #tpu.memory_space<vmem>>[vector<16xi32>], vector<16xi32>,
      %swap3A_162 = arith.index_cast %add3A_153 : i32 to index
      %swap3A_163 = tpu.vector_load %arg11[%swap3A_162] {strides = array<i32>} : memref<10000xi32, #tpu.memory_space<vmem>>, vector<16xi32>,
      tpu.vector_store %arg11[%swap3A_162], %gather3A_161 {strides = array<i32>} : memref<10000xi32, #tpu.memory_space<vmem>>, vector<16xi32>,
      %add3A_164 = arith.constant 208 : i32
      %add3A_165 = arith.addi %multiple_of3A, %add3A_164 : i32
      %get3A_166 = arith.index_cast %add3A_165 : i32 to index
      %get3A_167 = tpu.vector_load %arg8[%get3A_166] {strides = array<i32>} : memref<10000xi32, #tpu.memory_space<vmem>>, vector<16xi32>,
      %gather3A_168 = tpu.vector_load_idx %arg7[%get3A_167] : memref<10000xi32, #tpu.memory_space<vmem>>[vector<16xi32>], vector<16xi32>,
      %swap3A_169 = arith.index_cast %add3A_165 : i32 to index
      %swap3A_170 = tpu.vector_load %arg10[%swap3A_169] {strides = array<i32>} : memref<10000xi32, #tpu.memory_space<vmem>>, vector<16xi32>,
      tpu.vector_store %arg10[%swap3A_169], %gather3A_168 {strides = array<i32>} : memref<10000xi32, #tpu.memory_space<vmem>>, vector<16xi32>,
      %get3A_171 = arith.index_cast %add3A_165 : i32 to index
      %get3A_172 = tpu.vector_load %arg9[%get3A_171] {strides = array<i32>} : memref<10000xi32, #tpu.memory_space<vmem>>, vector<16xi32>,
      %gather3A_173 = tpu.vector_load_idx %arg7[%get3A_172] : memref<10000xi32, #tpu.memory_space<vmem>>[vector<16xi32>], vector<16xi32>,
      %swap3A_174 = arith.index_cast %add3A_165 : i32 to index
      %swap3A_175 = tpu.vector_load %arg11[%swap3A_174] {strides = array<i32>} : memref<10000xi32, #tpu.memory_space<vmem>>, vector<16xi32>,
      tpu.vector_store %arg11[%swap3A_174], %gather3A_173 {strides = array<i32>} : memref<10000xi32, #tpu.memory_space<vmem>>, vector<16xi32>,
      %add3A_176 = arith.constant 224 : i32
      %add3A_177 = arith.addi %multiple_of3A, %add3A_176 : i32
      %get3A_178 = arith.index_cast %add3A_177 : i32 to index
      %get3A_179 = tpu.vector_load %arg8[%get3A_178] {strides = array<i32>} : memref<10000xi32, #tpu.memory_space<vmem>>, vector<16xi32>,
      %gather3A_180 = tpu.vector_load_idx %arg7[%get3A_179] : memref<10000xi32, #tpu.memory_space<vmem>>[vector<16xi32>], vector<16xi32>,
      %swap3A_181 = arith.index_cast %add3A_177 : i32 to index
      %swap3A_182 = tpu.vector_load %arg10[%swap3A_181] {strides = array<i32>} : memref<10000xi32, #tpu.memory_space<vmem>>, vector<16xi32>,
      tpu.vector_store %arg10[%swap3A_181], %gather3A_180 {strides = array<i32>} : memref<10000xi32, #tpu.memory_space<vmem>>, vector<16xi32>,
      %get3A_183 = arith.index_cast %add3A_177 : i32 to index
      %get3A_184 = tpu.vector_load %arg9[%get3A_183] {strides = array<i32>} : memref<10000xi32, #tpu.memory_space<vmem>>, vector<16xi32>,
      %gather3A_185 = tpu.vector_load_idx %arg7[%get3A_184] : memref<10000xi32, #tpu.memory_space<vmem>>[vector<16xi32>], vector<16xi32>,
      %swap3A_186 = arith.index_cast %add3A_177 : i32 to index
      %swap3A_187 = tpu.vector_load %arg11[%swap3A_186] {strides = array<i32>} : memref<10000xi32, #tpu.memory_space<vmem>>, vector<16xi32>,
      tpu.vector_store %arg11[%swap3A_186], %gather3A_185 {strides = array<i32>} : memref<10000xi32, #tpu.memory_space<vmem>>, vector<16xi32>,
      %add3A_188 = arith.constant 240 : i32
      %add3A_189 = arith.addi %multiple_of3A, %add3A_188 : i32
      %get3A_190 = arith.index_cast %add3A_189 : i32 to index
      %get3A_191 = tpu.vector_load %arg8[%get3A_190] {strides = array<i32>} : memref<10000xi32, #tpu.memory_space<vmem>>, vector<16xi32>,
      %gather3A_192 = tpu.vector_load_idx %arg7[%get3A_191] : memref<10000xi32, #tpu.memory_space<vmem>>[vector<16xi32>], vector<16xi32>,
      %swap3A_193 = arith.index_cast %add3A_189 : i32 to index
      %swap3A_194 = tpu.vector_load %arg10[%swap3A_193] {strides = array<i32>} : memref<10000xi32, #tpu.memory_space<vmem>>, vector<16xi32>,
      tpu.vector_store %arg10[%swap3A_193], %gather3A_192 {strides = array<i32>} : memref<10000xi32, #tpu.memory_space<vmem>>, vector<16xi32>,
      %get3A_195 = arith.index_cast %add3A_189 : i32 to index
      %get3A_196 = tpu.vector_load %arg9[%get3A_195] {strides = array<i32>} : memref<10000xi32, #tpu.memory_space<vmem>>, vector<16xi32>,
      %gather3A_197 = tpu.vector_load_idx %arg7[%get3A_196] : memref<10000xi32, #tpu.memory_space<vmem>>[vector<16xi32>], vector<16xi32>,
      %swap3A_198 = arith.index_cast %add3A_189 : i32 to index
      %swap3A_199 = tpu.vector_load %arg11[%swap3A_198] {strides = array<i32>} : memref<10000xi32, #tpu.memory_space<vmem>>, vector<16xi32>,
      tpu.vector_store %arg11[%swap3A_198], %gather3A_197 {strides = array<i32>} : memref<10000xi32, #tpu.memory_space<vmem>>, vector<16xi32>,
      %add3A_200 = arith.constant 256 : i32
      %add3A_201 = arith.addi %multiple_of3A, %add3A_200 : i32
      %get3A_202 = arith.index_cast %add3A_201 : i32 to index
      %get3A_203 = tpu.vector_load %arg8[%get3A_202] {strides = array<i32>} : memref<10000xi32, #tpu.memory_space<vmem>>, vector<16xi32>,
      %gather3A_204 = tpu.vector_load_idx %arg7[%get3A_203] : memref<10000xi32, #tpu.memory_space<vmem>>[vector<16xi32>], vector<16xi32>,
      %swap3A_205 = arith.index_cast %add3A_201 : i32 to index
      %swap3A_206 = tpu.vector_load %arg10[%swap3A_205] {strides = array<i32>} : memref<10000xi32, #tpu.memory_space<vmem>>, vector<16xi32>,
      tpu.vector_store %arg10[%swap3A_205], %gather3A_204 {strides = array<i32>} : memref<10000xi32, #tpu.memory_space<vmem>>, vector<16xi32>,
      %get3A_207 = arith.index_cast %add3A_201 : i32 to index
      %get3A_208 = tpu.vector_load %arg9[%get3A_207] {strides = array<i32>} : memref<10000xi32, #tpu.memory_space<vmem>>, vector<16xi32>,
      %gather3A_209 = tpu.vector_load_idx %arg7[%get3A_208] : memref<10000xi32, #tpu.memory_space<vmem>>[vector<16xi32>], vector<16xi32>,
      %swap3A_210 = arith.index_cast %add3A_201 : i32 to index
      %swap3A_211 = tpu.vector_load %arg11[%swap3A_210] {strides = array<i32>} : memref<10000xi32, #tpu.memory_space<vmem>>, vector<16xi32>,
      tpu.vector_store %arg11[%swap3A_210], %gather3A_209 {strides = array<i32>} : memref<10000xi32, #tpu.memory_space<vmem>>, vector<16xi32>,
      %add3A_212 = arith.constant 272 : i32
      %add3A_213 = arith.addi %multiple_of3A, %add3A_212 : i32
      %get3A_214 = arith.index_cast %add3A_213 : i32 to index
      %get3A_215 = tpu.vector_load %arg8[%get3A_214] {strides = array<i32>} : memref<10000xi32, #tpu.memory_space<vmem>>, vector<16xi32>,
      %gather3A_216 = tpu.vector_load_idx %arg7[%get3A_215] : memref<10000xi32, #tpu.memory_space<vmem>>[vector<16xi32>], vector<16xi32>,
      %swap3A_217 = arith.index_cast %add3A_213 : i32 to index
      %swap3A_218 = tpu.vector_load %arg10[%swap3A_217] {strides = array<i32>} : memref<10000xi32, #tpu.memory_space<vmem>>, vector<16xi32>,
      tpu.vector_store %arg10[%swap3A_217], %gather3A_216 {strides = array<i32>} : memref<10000xi32, #tpu.memory_space<vmem>>, vector<16xi32>,
      %get3A_219 = arith.index_cast %add3A_213 : i32 to index
      %get3A_220 = tpu.vector_load %arg9[%get3A_219] {strides = array<i32>} : memref<10000xi32, #tpu.memory_space<vmem>>, vector<16xi32>,
      %gather3A_221 = tpu.vector_load_idx %arg7[%get3A_220] : memref<10000xi32, #tpu.memory_space<vmem>>[vector<16xi32>], vector<16xi32>,
      %swap3A_222 = arith.index_cast %add3A_213 : i32 to index
      %swap3A_223 = tpu.vector_load %arg11[%swap3A_222] {strides = array<i32>} : memref<10000xi32, #tpu.memory_space<vmem>>, vector<16xi32>,
      tpu.vector_store %arg11[%swap3A_222], %gather3A_221 {strides = array<i32>} : memref<10000xi32, #tpu.memory_space<vmem>>, vector<16xi32>,
      %add3A_224 = arith.constant 288 : i32
      %add3A_225 = arith.addi %multiple_of3A, %add3A_224 : i32
      %get3A_226 = arith.index_cast %add3A_225 : i32 to index
      %get3A_227 = tpu.vector_load %arg8[%get3A_226] {strides = array<i32>} : memref<10000xi32, #tpu.memory_space<vmem>>, vector<16xi32>,
      %gather3A_228 = tpu.vector_load_idx %arg7[%get3A_227] : memref<10000xi32, #tpu.memory_space<vmem>>[vector<16xi32>], vector<16xi32>,
      %swap3A_229 = arith.index_cast %add3A_225 : i32 to index
      %swap3A_230 = tpu.vector_load %arg10[%swap3A_229] {strides = array<i32>} : memref<10000xi32, #tpu.memory_space<vmem>>, vector<16xi32>,
      tpu.vector_store %arg10[%swap3A_229], %gather3A_228 {strides = array<i32>} : memref<10000xi32, #tpu.memory_space<vmem>>, vector<16xi32>,
      %get3A_231 = arith.index_cast %add3A_225 : i32 to index
      %get3A_232 = tpu.vector_load %arg9[%get3A_231] {strides = array<i32>} : memref<10000xi32, #tpu.memory_space<vmem>>, vector<16xi32>,
      %gather3A_233 = tpu.vector_load_idx %arg7[%get3A_232] : memref<10000xi32, #tpu.memory_space<vmem>>[vector<16xi32>], vector<16xi32>,
      %swap3A_234 = arith.index_cast %add3A_225 : i32 to index
      %swap3A_235 = tpu.vector_load %arg11[%swap3A_234] {strides = array<i32>} : memref<10000xi32, #tpu.memory_space<vmem>>, vector<16xi32>,
      tpu.vector_store %arg11[%swap3A_234], %gather3A_233 {strides = array<i32>} : memref<10000xi32, #tpu.memory_space<vmem>>, vector<16xi32>,
      %add3A_236 = arith.constant 304 : i32
      %add3A_237 = arith.addi %multiple_of3A, %add3A_236 : i32
      %get3A_238 = arith.index_cast %add3A_237 : i32 to index
      %get3A_239 = tpu.vector_load %arg8[%get3A_238] {strides = array<i32>} : memref<10000xi32, #tpu.memory_space<vmem>>, vector<16xi32>,
      %gather3A_240 = tpu.vector_load_idx %arg7[%get3A_239] : memref<10000xi32, #tpu.memory_space<vmem>>[vector<16xi32>], vector<16xi32>,
      %swap3A_241 = arith.index_cast %add3A_237 : i32 to index
      %swap3A_242 = tpu.vector_load %arg10[%swap3A_241] {strides = array<i32>} : memref<10000xi32, #tpu.memory_space<vmem>>, vector<16xi32>,
      tpu.vector_store %arg10[%swap3A_241], %gather3A_240 {strides = array<i32>} : memref<10000xi32, #tpu.memory_space<vmem>>, vector<16xi32>,
      %get3A_243 = arith.index_cast %add3A_237 : i32 to index
      %get3A_244 = tpu.vector_load %arg9[%get3A_243] {strides = array<i32>} : memref<10000xi32, #tpu.memory_space<vmem>>, vector<16xi32>,
      %gather3A_245 = tpu.vector_load_idx %arg7[%get3A_244] : memref<10000xi32, #tpu.memory_space<vmem>>[vector<16xi32>], vector<16xi32>,
      %swap3A_246 = arith.index_cast %add3A_237 : i32 to index
      %swap3A_247 = tpu.vector_load %arg11[%swap3A_246] {strides = array<i32>} : memref<10000xi32, #tpu.memory_space<vmem>>, vector<16xi32>,
      tpu.vector_store %arg11[%swap3A_246], %gather3A_245 {strides = array<i32>} : memref<10000xi32, #tpu.memory_space<vmem>>, vector<16xi32>,
      %add3A_248 = arith.constant 320 : i32
      %add3A_249 = arith.addi %multiple_of3A, %add3A_248 : i32
      %get3A_250 = arith.index_cast %add3A_249 : i32 to index
      %get3A_251 = tpu.vector_load %arg8[%get3A_250] {strides = array<i32>} : memref<10000xi32, #tpu.memory_space<vmem>>, vector<16xi32>,
      %gather3A_252 = tpu.vector_load_idx %arg7[%get3A_251] : memref<10000xi32, #tpu.memory_space<vmem>>[vector<16xi32>], vector<16xi32>,
      %swap3A_253 = arith.index_cast %add3A_249 : i32 to index
      %swap3A_254 = tpu.vector_load %arg10[%swap3A_253] {strides = array<i32>} : memref<10000xi32, #tpu.memory_space<vmem>>, vector<16xi32>,
      tpu.vector_store %arg10[%swap3A_253], %gather3A_252 {strides = array<i32>} : memref<10000xi32, #tpu.memory_space<vmem>>, vector<16xi32>,
      %get3A_255 = arith.index_cast %add3A_249 : i32 to index
      %get3A_256 = tpu.vector_load %arg9[%get3A_255] {strides = array<i32>} : memref<10000xi32, #tpu.memory_space<vmem>>, vector<16xi32>,
      %gather3A_257 = tpu.vector_load_idx %arg7[%get3A_256] : memref<10000xi32, #tpu.memory_space<vmem>>[vector<16xi32>], vector<16xi32>,
      %swap3A_258 = arith.index_cast %add3A_249 : i32 to index
      %swap3A_259 = tpu.vector_load %arg11[%swap3A_258] {strides = array<i32>} : memref<10000xi32, #tpu.memory_space<vmem>>, vector<16xi32>,
      tpu.vector_store %arg11[%swap3A_258], %gather3A_257 {strides = array<i32>} : memref<10000xi32, #tpu.memory_space<vmem>>, vector<16xi32>,
      %add3A_260 = arith.constant 336 : i32
      %add3A_261 = arith.addi %multiple_of3A, %add3A_260 : i32
      %get3A_262 = arith.index_cast %add3A_261 : i32 to index
      %get3A_263 = tpu.vector_load %arg8[%get3A_262] {strides = array<i32>} : memref<10000xi32, #tpu.memory_space<vmem>>, vector<16xi32>,
      %gather3A_264 = tpu.vector_load_idx %arg7[%get3A_263] : memref<10000xi32, #tpu.memory_space<vmem>>[vector<16xi32>], vector<16xi32>,
      %swap3A_265 = arith.index_cast %add3A_261 : i32 to index
      %swap3A_266 = tpu.vector_load %arg10[%swap3A_265] {strides = array<i32>} : memref<10000xi32, #tpu.memory_space<vmem>>, vector<16xi32>,
      tpu.vector_store %arg10[%swap3A_265], %gather3A_264 {strides = array<i32>} : memref<10000xi32, #tpu.memory_space<vmem>>, vector<16xi32>,
      %get3A_267 = arith.index_cast %add3A_261 : i32 to index
      %get3A_268 = tpu.vector_load %arg9[%get3A_267] {strides = array<i32>} : memref<10000xi32, #tpu.memory_space<vmem>>, vector<16xi32>,
      %gather3A_269 = tpu.vector_load_idx %arg7[%get3A_268] : memref<10000xi32, #tpu.memory_space<vmem>>[vector<16xi32>], vector<16xi32>,
      %swap3A_270 = arith.index_cast %add3A_261 : i32 to index
      %swap3A_271 = tpu.vector_load %arg11[%swap3A_270] {strides = array<i32>} : memref<10000xi32, #tpu.memory_space<vmem>>, vector<16xi32>,
      tpu.vector_store %arg11[%swap3A_270], %gather3A_269 {strides = array<i32>} : memref<10000xi32, #tpu.memory_space<vmem>>, vector<16xi32>,
      %add3A_272 = arith.constant 352 : i32
      %add3A_273 = arith.addi %multiple_of3A, %add3A_272 : i32
      %get3A_274 = arith.index_cast %add3A_273 : i32 to index
      %get3A_275 = tpu.vector_load %arg8[%get3A_274] {strides = array<i32>} : memref<10000xi32, #tpu.memory_space<vmem>>, vector<16xi32>,
      %gather3A_276 = tpu.vector_load_idx %arg7[%get3A_275] : memref<10000xi32, #tpu.memory_space<vmem>>[vector<16xi32>], vector<16xi32>,
      %swap3A_277 = arith.index_cast %add3A_273 : i32 to index
      %swap3A_278 = tpu.vector_load %arg10[%swap3A_277] {strides = array<i32>} : memref<10000xi32, #tpu.memory_space<vmem>>, vector<16xi32>,
      tpu.vector_store %arg10[%swap3A_277], %gather3A_276 {strides = array<i32>} : memref<10000xi32, #tpu.memory_space<vmem>>, vector<16xi32>,
      %get3A_279 = arith.index_cast %add3A_273 : i32 to index
      %get3A_280 = tpu.vector_load %arg9[%get3A_279] {strides = array<i32>} : memref<10000xi32, #tpu.memory_space<vmem>>, vector<16xi32>,
      %gather3A_281 = tpu.vector_load_idx %arg7[%get3A_280] : memref<10000xi32, #tpu.memory_space<vmem>>[vector<16xi32>], vector<16xi32>,
      %swap3A_282 = arith.index_cast %add3A_273 : i32 to index
      %swap3A_283 = tpu.vector_load %arg11[%swap3A_282] {strides = array<i32>} : memref<10000xi32, #tpu.memory_space<vmem>>, vector<16xi32>,
      tpu.vector_store %arg11[%swap3A_282], %gather3A_281 {strides = array<i32>} : memref<10000xi32, #tpu.memory_space<vmem>>, vector<16xi32>,
      %add3A_284 = arith.constant 368 : i32
      %add3A_285 = arith.addi %multiple_of3A, %add3A_284 : i32
      %get3A_286 = arith.index_cast %add3A_285 : i32 to index
      %get3A_287 = tpu.vector_load %arg8[%get3A_286] {strides = array<i32>} : memref<10000xi32, #tpu.memory_space<vmem>>, vector<16xi32>,
      %gather3A_288 = tpu.vector_load_idx %arg7[%get3A_287] : memref<10000xi32, #tpu.memory_space<vmem>>[vector<16xi32>], vector<16xi32>,
      %swap3A_289 = arith.index_cast %add3A_285 : i32 to index
      %swap3A_290 = tpu.vector_load %arg10[%swap3A_289] {strides = array<i32>} : memref<10000xi32, #tpu.memory_space<vmem>>, vector<16xi32>,
      tpu.vector_store %arg10[%swap3A_289], %gather3A_288 {strides = array<i32>} : memref<10000xi32, #tpu.memory_space<vmem>>, vector<16xi32>,
      %get3A_291 = arith.index_cast %add3A_285 : i32 to index
      %get3A_292 = tpu.vector_load %arg9[%get3A_291] {strides = array<i32>} : memref<10000xi32, #tpu.memory_space<vmem>>, vector<16xi32>,
      %gather3A_293 = tpu.vector_load_idx %arg7[%get3A_292] : memref<10000xi32, #tpu.memory_space<vmem>>[vector<16xi32>], vector<16xi32>,
      %swap3A_294 = arith.index_cast %add3A_285 : i32 to index
      %swap3A_295 = tpu.vector_load %arg11[%swap3A_294] {strides = array<i32>} : memref<10000xi32, #tpu.memory_space<vmem>>, vector<16xi32>,
      tpu.vector_store %arg11[%swap3A_294], %gather3A_293 {strides = array<i32>} : memref<10000xi32, #tpu.memory_space<vmem>>, vector<16xi32>,
      %add3A_296 = arith.constant 384 : i32
      %add3A_297 = arith.addi %multiple_of3A, %add3A_296 : i32
      %get3A_298 = arith.index_cast %add3A_297 : i32 to index
      %get3A_299 = tpu.vector_load %arg8[%get3A_298] {strides = array<i32>} : memref<10000xi32, #tpu.memory_space<vmem>>, vector<16xi32>,
      %gather3A_300 = tpu.vector_load_idx %arg7[%get3A_299] : memref<10000xi32, #tpu.memory_space<vmem>>[vector<16xi32>], vector<16xi32>,
      %swap3A_301 = arith.index_cast %add3A_297 : i32 to index
      %swap3A_302 = tpu.vector_load %arg10[%swap3A_301] {strides = array<i32>} : memref<10000xi32, #tpu.memory_space<vmem>>, vector<16xi32>,
      tpu.vector_store %arg10[%swap3A_301], %gather3A_300 {strides = array<i32>} : memref<10000xi32, #tpu.memory_space<vmem>>, vector<16xi32>,
      %get3A_303 = arith.index_cast %add3A_297 : i32 to index
      %get3A_304 = tpu.vector_load %arg9[%get3A_303] {strides = array<i32>} : memref<10000xi32, #tpu.memory_space<vmem>>, vector<16xi32>,
      %gather3A_305 = tpu.vector_load_idx %arg7[%get3A_304] : memref<10000xi32, #tpu.memory_space<vmem>>[vector<16xi32>], vector<16xi32>,
      %swap3A_306 = arith.index_cast %add3A_297 : i32 to index
      %swap3A_307 = tpu.vector_load %arg11[%swap3A_306] {strides = array<i32>} : memref<10000xi32, #tpu.memory_space<vmem>>, vector<16xi32>,
      tpu.vector_store %arg11[%swap3A_306], %gather3A_305 {strides = array<i32>} : memref<10000xi32, #tpu.memory_space<vmem>>, vector<16xi32>,
    }
    %scan3A_7 = arith.constant 25 : i32
    "tpu.region"() ({
      %run_scoped3A = tpu.sem_alloc : memref<!tpu.dma_semaphore, #tpu.memory_space<semaphore_mem>>
      %dma_start3A = tpu.memref_slice %arg5[%mul3A_2] : memref<320000xi32, #tpu.memory_space<hbm>> -> memref<10000xi32, #tpu.memory_space<hbm>>
      %dma_start3A_8 = tpu.memref_slice %arg5[%mul3A_2] : memref<320000xi32, #tpu.memory_space<hbm>> -> memref<10000xi32, #tpu.memory_space<hbm>>
      tpu.enqueue_dma source(%arg10 : memref<10000xi32, #tpu.memory_space<vmem>>) target(%dma_start3A_8 : memref<10000xi32, #tpu.memory_space<hbm>>) target_semaphore(%run_scoped3A : memref<!tpu.dma_semaphore, #tpu.memory_space<semaphore_mem>>)
      %dma_wait3A = tpu.memref_slice %arg5[%mul3A_2] : memref<320000xi32, #tpu.memory_space<hbm>> -> memref<10000xi32, #tpu.memory_space<hbm>>
      %dma_wait3A_9 = tpu.memref_slice %arg5[%mul3A_2] : memref<320000xi32, #tpu.memory_space<hbm>> -> memref<10000xi32, #tpu.memory_space<hbm>>
      tpu.wait_dma2 semaphore(%run_scoped3A : memref<!tpu.dma_semaphore, #tpu.memory_space<semaphore_mem>>) src(%arg10 : memref<10000xi32, #tpu.memory_space<vmem>>) dst(%dma_wait3A_9 : memref<10000xi32, #tpu.memory_space<hbm>>)
      tpu.yield
    }) : () -> ()
    "tpu.region"() ({
      %run_scoped3A = tpu.sem_alloc : memref<!tpu.dma_semaphore, #tpu.memory_space<semaphore_mem>>
      %dma_start3A = tpu.memref_slice %arg6[%mul3A_2] : memref<320000xi32, #tpu.memory_space<hbm>> -> memref<10000xi32, #tpu.memory_space<hbm>>
      %dma_start3A_8 = tpu.memref_slice %arg6[%mul3A_2] : memref<320000xi32, #tpu.memory_space<hbm>> -> memref<10000xi32, #tpu.memory_space<hbm>>
      tpu.enqueue_dma source(%arg11 : memref<10000xi32, #tpu.memory_space<vmem>>) target(%dma_start3A_8 : memref<10000xi32, #tpu.memory_space<hbm>>) target_semaphore(%run_scoped3A : memref<!tpu.dma_semaphore, #tpu.memory_space<semaphore_mem>>)
      %dma_wait3A = tpu.memref_slice %arg6[%mul3A_2] : memref<320000xi32, #tpu.memory_space<hbm>> -> memref<10000xi32, #tpu.memory_space<hbm>>
      %dma_wait3A_9 = tpu.memref_slice %arg6[%mul3A_2] : memref<320000xi32, #tpu.memory_space<hbm>> -> memref<10000xi32, #tpu.memory_space<hbm>>
      tpu.wait_dma2 semaphore(%run_scoped3A : memref<!tpu.dma_semaphore, #tpu.memory_space<semaphore_mem>>) src(%arg11 : memref<10000xi32, #tpu.memory_space<vmem>>) dst(%dma_wait3A_9 : memref<10000xi32, #tpu.memory_space<hbm>>)
      tpu.yield
    }) : () -> ()
    return
  }
}

module attributes {stable_mosaic.version = 14 : i64} {
  func.func @_g12_body(%arg0: memref<128x128xf32, #tpu.memory_space<vmem>>, %arg1: memref<128x256xf32, #tpu.memory_space<vmem>>, %arg2: memref<128x128xbf16, #tpu.memory_space<vmem>>, %arg3: memref<384x128xbf16, #tpu.memory_space<vmem>>) attributes {dimension_semantics = [], scalar_prefetch = 0 : i64, scratch_operands = 0 : i64, tpu.core_type = #tpu.core_type<tc>} {
    %get3A = arith.constant 0 : index
    %get3A_0 = arith.constant 0 : index
    %get3A_1 = vector.load %arg0[%get3A, %get3A_0] : memref<128x128xf32, #tpu.memory_space<vmem>>, vector<128x128xf32>
    %get3A_2 = arith.constant 0 : index
    %get3A_3 = arith.constant 0 : index
    %get3A_4 = vector.load %arg1[%get3A_2, %get3A_3] : memref<128x256xf32, #tpu.memory_space<vmem>>, vector<128x256xf32>
    %dot_general3A = arith.constant dense<0.000000e+00> : vector<128x256xf32>
    %dot_general3A_5 = tpu.matmul %get3A_1, %get3A_4, %dot_general3A {dimension_numbers = #tpu.dot_dimension_numbers<[1], [0], [0], [1], [0, 0, 1, 1], [], []>, transpose_lhs_hint = false} : vector<128x128xf32>, vector<128x256xf32>, vector<128x256xf32> -> vector<128x256xf32>
    %get3A_6 = arith.constant 0 : index
    %get3A_7 = arith.constant 0 : index
    %get3A_8 = vector.load %arg2[%get3A_6, %get3A_7] : memref<128x128xbf16, #tpu.memory_space<vmem>>, vector<128x128xbf16>
    %swap3A = arith.constant 0 : index
    %swap3A_9 = arith.constant 0 : index
    %swap3A_10 = vector.load %arg3[%swap3A, %swap3A_9] : memref<384x128xbf16, #tpu.memory_space<vmem>>, vector<128x128xbf16>
    tpu.vector_store %arg3[%swap3A, %swap3A_9], %get3A_8 {strides = array<i32>} : memref<384x128xbf16, #tpu.memory_space<vmem>>, vector<128x128xbf16>,
    %slice3A = vector.extract_strided_slice %dot_general3A_5 {offsets = [0, 0], sizes = [128, 128], strides = [1, 1]} : vector<128x256xf32> to vector<128x128xf32>
    %convert_element_type3A = arith.truncf %slice3A : vector<128x128xf32> to vector<128x128xbf16>
    %swap3A_11 = arith.constant 128 : index
    %swap3A_12 = arith.constant 0 : index
    %swap3A_13 = vector.load %arg3[%swap3A_11, %swap3A_12] : memref<384x128xbf16, #tpu.memory_space<vmem>>, vector<128x128xbf16>
    tpu.vector_store %arg3[%swap3A_11, %swap3A_12], %convert_element_type3A {strides = array<i32>} : memref<384x128xbf16, #tpu.memory_space<vmem>>, vector<128x128xbf16>,
    %slice3A_14 = vector.extract_strided_slice %dot_general3A_5 {offsets = [0, 128], sizes = [128, 128], strides = [1, 1]} : vector<128x256xf32> to vector<128x128xf32>
    %convert_element_type3A_15 = arith.truncf %slice3A_14 : vector<128x128xf32> to vector<128x128xbf16>
    %swap3A_16 = arith.constant 256 : index
    %swap3A_17 = arith.constant 0 : index
    %swap3A_18 = vector.load %arg3[%swap3A_16, %swap3A_17] : memref<384x128xbf16, #tpu.memory_space<vmem>>, vector<128x128xbf16>
    tpu.vector_store %arg3[%swap3A_16, %swap3A_17], %convert_element_type3A_15 {strides = array<i32>} : memref<384x128xbf16, #tpu.memory_space<vmem>>, vector<128x128xbf16>,
    return
  }
}

module attributes {stable_mosaic.version = 14 : i64} {
  func.func @_tc_body(%arg0: i32, %arg1: memref<6x6400xf32, #tpu.memory_space<vmem>>, %arg2: memref<1x1x6400xi32, #tpu.memory_space<vmem>>, %arg3: memref<1x1x6400xi32, #tpu.memory_space<vmem>>, %arg4: memref<384x128xbf16, #tpu.memory_space<vmem>>, %arg5: memref<6x128xf32, #tpu.memory_space<vmem>>, %arg6: memref<6x128xf32, #tpu.memory_space<vmem>>, %arg7: memref<128x1xf32, #tpu.memory_space<vmem>>, %arg8: memref<1x128xf32, #tpu.memory_space<vmem>>, %arg9: memref<6400x128xf32, #tpu.memory_space<vmem>>, %arg10: memref<6400x128xf32, #tpu.memory_space<vmem>>) attributes {dimension_semantics = [#tpu.dimension_semantics<parallel>], iteration_bounds = array<i64: 50>, scalar_prefetch = 0 : i64, scratch_operands = 0 : i64, tpu.core_type = #tpu.core_type<tc>, window_params = [{transform_indices = @transform_0, window_bounds = array<i64: 6, 6400>}, {transform_indices = @transform_1, window_bounds = array<i64: 1, 1, 6400>}, {transform_indices = @transform_2, window_bounds = array<i64: 1, 1, 6400>}, {pipeline_mode = #tpu.pipeline_mode<synchronous>, transform_indices = @transform_3, window_bounds = array<i64: 384, 128>}, {pipeline_mode = #tpu.pipeline_mode<synchronous>, transform_indices = @transform_4, window_bounds = array<i64: 6, 128>}, {pipeline_mode = #tpu.pipeline_mode<synchronous>, transform_indices = @transform_5, window_bounds = array<i64: 6, 128>}, {pipeline_mode = #tpu.pipeline_mode<synchronous>, transform_indices = @transform_6, window_bounds = array<i64: 128, 1>}, {pipeline_mode = #tpu.pipeline_mode<synchronous>, transform_indices = @transform_7, window_bounds = array<i64: 1, 128>}, {transform_indices = @transform_8, window_bounds = array<i64: 6400, 128>}, {transform_indices = @transform_9, window_bounds = array<i64: 6400, 128>}]} {
    %get3A = arith.constant 0 : index
    %get3A_0 = arith.constant 0 : index
    %get3A_1 = vector.load %arg1[%get3A, %get3A_0] : memref<6x6400xf32, #tpu.memory_space<vmem>>, vector<6x6400xf32>
    %get3A_2 = arith.constant 0 : index
    %get3A_3 = arith.constant 0 : index
    %get3A_4 = vector.load %arg5[%get3A_2, %get3A_3] : memref<6x128xf32, #tpu.memory_space<vmem>>, vector<6x128xf32>
    %dot_general3A = arith.constant dense<0.000000e+00> : vector<128x6400xf32>
    %dot_general3A_5 = tpu.matmul %get3A_4, %get3A_1, %dot_general3A {dimension_numbers = #tpu.dot_dimension_numbers<[0], [0], [1], [1], [0, 1, 1, 1], [], []>, transpose_lhs_hint = false} : vector<6x128xf32>, vector<6x6400xf32>, vector<128x6400xf32> -> vector<128x6400xf32>
    %get3A_6 = arith.constant 0 : index
    %get3A_7 = arith.constant 0 : index
    %get3A_8 = vector.load %arg7[%get3A_6, %get3A_7] : memref<128x1xf32, #tpu.memory_space<vmem>>, vector<128x1xf32>
    %add3A = vector.broadcast %get3A_8 : vector<128x1xf32> to vector<128x6400xf32>
    %add3A_9 = arith.addf %dot_general3A_5, %add3A : vector<128x6400xf32>
    %logistic3A = arith.negf %add3A_9 : vector<128x6400xf32>
    %logistic3A_10 = math.exp %logistic3A : vector<128x6400xf32>
    %logistic3A_11 = arith.constant 1.000000e+00 : f32
    %logistic3A_12 = vector.broadcast %logistic3A_11 : f32 to vector<128x6400xf32>
    %logistic3A_13 = arith.addf %logistic3A_12, %logistic3A_10 : vector<128x6400xf32>
    %logistic3A_14 = arith.divf %logistic3A_12, %logistic3A_13 : vector<128x6400xf32>
    %mul3A = arith.mulf %add3A_9, %logistic3A_14 : vector<128x6400xf32>
    %iota3A = tpu.iota {dimensions = array<i32: 0>} : vector<128x6400xi32>
    %get3A_15 = arith.constant 0 : index
    %get3A_16 = arith.constant 0 : index
    %get3A_17 = arith.constant 0 : index
    %get3A_18 = vector.load %arg2[%get3A_15, %get3A_16, %get3A_17] : memref<1x1x6400xi32, #tpu.memory_space<vmem>>, vector<1x1x6400xi32>
    %get3A_19 = vector.shape_cast %get3A_18 : vector<1x1x6400xi32> to vector<1x6400xi32>
    %eq3A = vector.broadcast %get3A_19 : vector<1x6400xi32> to vector<128x6400xi32>
    %eq3A_20 = arith.cmpi eq, %iota3A, %eq3A : vector<128x6400xi32>
    %convert_element_type3A = arith.extui %eq3A_20 : vector<128x6400xi1> to vector<128x6400xi32>
    %convert_element_type3A_21 = arith.sitofp %convert_element_type3A : vector<128x6400xi32> to vector<128x6400xf32>
    %convert_element_type3A_22 = arith.truncf %convert_element_type3A_21 : vector<128x6400xf32> to vector<128x6400xbf16>
    %get3A_23 = arith.constant 0 : index
    %get3A_24 = arith.constant 0 : index
    %get3A_25 = arith.constant 0 : index
    %get3A_26 = vector.load %arg3[%get3A_23, %get3A_24, %get3A_25] : memref<1x1x6400xi32, #tpu.memory_space<vmem>>, vector<1x1x6400xi32>
    %get3A_27 = vector.shape_cast %get3A_26 : vector<1x1x6400xi32> to vector<1x6400xi32>
    %eq3A_28 = vector.broadcast %get3A_27 : vector<1x6400xi32> to vector<128x6400xi32>
    %eq3A_29 = arith.cmpi eq, %iota3A, %eq3A_28 : vector<128x6400xi32>
    %convert_element_type3A_30 = arith.extui %eq3A_29 : vector<128x6400xi1> to vector<128x6400xi32>
    %convert_element_type3A_31 = arith.sitofp %convert_element_type3A_30 : vector<128x6400xi32> to vector<128x6400xf32>
    %convert_element_type3A_32 = arith.truncf %convert_element_type3A_31 : vector<128x6400xf32> to vector<128x6400xbf16>
    %convert_element_type3A_33 = arith.truncf %mul3A : vector<128x6400xf32> to vector<128x6400xbf16>
    %concatenate3A = tpu.concatenate %convert_element_type3A_33, %convert_element_type3A_22, %convert_element_type3A_32 in 0 : vector<128x6400xbf16>, vector<128x6400xbf16>, vector<128x6400xbf16> -> vector<384x6400xbf16>
    %get3A_34 = arith.constant 0 : index
    %get3A_35 = arith.constant 0 : index
    %get3A_36 = vector.load %arg4[%get3A_34, %get3A_35] : memref<384x128xbf16, #tpu.memory_space<vmem>>, vector<384x128xbf16>
    %dot_general3A_37 = arith.constant dense<0.000000e+00> : vector<6400x128xf32>
    %dot_general3A_38 = tpu.matmul %concatenate3A, %get3A_36, %dot_general3A_37 {dimension_numbers = #tpu.dot_dimension_numbers<[0], [0], [1], [1], [0, 1, 1, 1], [], []>, transpose_lhs_hint = false} : vector<384x6400xbf16>, vector<384x128xbf16>, vector<6400x128xf32> -> vector<6400x128xf32>
    %get3A_39 = arith.constant 0 : index
    %get3A_40 = arith.constant 0 : index
    %get3A_41 = vector.load %arg8[%get3A_39, %get3A_40] : memref<1x128xf32, #tpu.memory_space<vmem>>, vector<1x128xf32>
    %add3A_42 = vector.broadcast %get3A_41 : vector<1x128xf32> to vector<6400x128xf32>
    %add3A_43 = arith.addf %dot_general3A_38, %add3A_42 : vector<6400x128xf32>
    %logistic3A_44 = arith.negf %add3A_43 : vector<6400x128xf32>
    %logistic3A_45 = math.exp %logistic3A_44 : vector<6400x128xf32>
    %logistic3A_46 = arith.constant 1.000000e+00 : f32
    %logistic3A_47 = vector.broadcast %logistic3A_46 : f32 to vector<6400x128xf32>
    %logistic3A_48 = arith.addf %logistic3A_47, %logistic3A_45 : vector<6400x128xf32>
    %logistic3A_49 = arith.divf %logistic3A_47, %logistic3A_48 : vector<6400x128xf32>
    %mul3A_50 = arith.mulf %add3A_43, %logistic3A_49 : vector<6400x128xf32>
    %get3A_51 = arith.constant 0 : index
    %get3A_52 = arith.constant 0 : index
    %get3A_53 = vector.load %arg6[%get3A_51, %get3A_52] : memref<6x128xf32, #tpu.memory_space<vmem>>, vector<6x128xf32>
    %dot_general3A_54 = arith.constant dense<0.000000e+00> : vector<6400x128xf32>
    %dot_general3A_55 = tpu.matmul %get3A_1, %get3A_53, %dot_general3A_54 {dimension_numbers = #tpu.dot_dimension_numbers<[0], [0], [1], [1], [0, 1, 1, 1], [], []>, transpose_lhs_hint = false} : vector<6x6400xf32>, vector<6x128xf32>, vector<6400x128xf32> -> vector<6400x128xf32>
    %mul3A_56 = arith.mulf %dot_general3A_55, %mul3A_50 : vector<6400x128xf32>
    %swap3A = arith.constant 0 : index
    %swap3A_57 = arith.constant 0 : index
    %swap3A_58 = vector.load %arg9[%swap3A, %swap3A_57] : memref<6400x128xf32, #tpu.memory_space<vmem>>, vector<6400x128xf32>
    tpu.vector_store %arg9[%swap3A, %swap3A_57], %mul3A_50 {strides = array<i32>} : memref<6400x128xf32, #tpu.memory_space<vmem>>, vector<6400x128xf32>,
    %swap3A_59 = arith.constant 0 : index
    %swap3A_60 = arith.constant 0 : index
    %swap3A_61 = vector.load %arg10[%swap3A_59, %swap3A_60] : memref<6400x128xf32, #tpu.memory_space<vmem>>, vector<6400x128xf32>
    tpu.vector_store %arg10[%swap3A_59, %swap3A_60], %mul3A_56 {strides = array<i32>} : memref<6400x128xf32, #tpu.memory_space<vmem>>, vector<6400x128xf32>,
    return
  }
  func.func @transform_0(%arg0: i32) -> (i32, i32) {
    %c0_i32 = arith.constant 0 : i32
    %c0_i32_0 = arith.constant 0 : i32
    return %c0_i32, %arg0 : i32, i32
  }
  func.func @transform_1(%arg0: i32) -> (i32, i32, i32) {
    %c0_i32 = arith.constant 0 : i32
    %c0_i32_0 = arith.constant 0 : i32
    %c0_i32_1 = arith.constant 0 : i32
    return %arg0, %c0_i32, %c0_i32_0 : i32, i32, i32
  }
  func.func @transform_2(%arg0: i32) -> (i32, i32, i32) {
    %c0_i32 = arith.constant 0 : i32
    %c0_i32_0 = arith.constant 0 : i32
    %c0_i32_1 = arith.constant 0 : i32
    return %arg0, %c0_i32, %c0_i32_0 : i32, i32, i32
  }
  func.func @transform_3(%arg0: i32) -> (i32, i32) {
    %c0_i32 = arith.constant 0 : i32
    %c0_i32_0 = arith.constant 0 : i32
    %c0_i32_1 = arith.constant 0 : i32
    return %c0_i32, %c0_i32_0 : i32, i32
  }
  func.func @transform_4(%arg0: i32) -> (i32, i32) {
    %c0_i32 = arith.constant 0 : i32
    %c0_i32_0 = arith.constant 0 : i32
    %c0_i32_1 = arith.constant 0 : i32
    return %c0_i32, %c0_i32_0 : i32, i32
  }
  func.func @transform_5(%arg0: i32) -> (i32, i32) {
    %c0_i32 = arith.constant 0 : i32
    %c0_i32_0 = arith.constant 0 : i32
    %c0_i32_1 = arith.constant 0 : i32
    return %c0_i32, %c0_i32_0 : i32, i32
  }
  func.func @transform_6(%arg0: i32) -> (i32, i32) {
    %c0_i32 = arith.constant 0 : i32
    %c0_i32_0 = arith.constant 0 : i32
    %c0_i32_1 = arith.constant 0 : i32
    return %c0_i32, %c0_i32_0 : i32, i32
  }
  func.func @transform_7(%arg0: i32) -> (i32, i32) {
    %c0_i32 = arith.constant 0 : i32
    %c0_i32_0 = arith.constant 0 : i32
    %c0_i32_1 = arith.constant 0 : i32
    return %c0_i32, %c0_i32_0 : i32, i32
  }
  func.func @transform_8(%arg0: i32) -> (i32, i32) {
    %c0_i32 = arith.constant 0 : i32
    %c0_i32_0 = arith.constant 0 : i32
    return %arg0, %c0_i32 : i32, i32
  }
  func.func @transform_9(%arg0: i32) -> (i32, i32) {
    %c0_i32 = arith.constant 0 : i32
    %c0_i32_0 = arith.constant 0 : i32
    return %arg0, %c0_i32 : i32, i32
  }
}

</mosaic_0001>

<sc_bundles>
// kernel: kernel.5.cloned.1.call-start
scs
__scs_entry_jumppad:
0x0: {  	(pc) =	sbr.rel $0x88, $3  }
0x1: {  	(tag) =	ssettag $0x0;
	lr =	simm.s32 $0x1  }
0x2: {  	[smem:$0x3F97] =	sst lr;
	_ =	strace $0xD0000000  }
0x3: {  	_ = 	snop  }
0x4: {  	_ = 	snop  }
0x5: {  	_ = 	snop  }
0x6: {  	_ = 	snop  }
0x7: {  	_ = 	snop  }
__scs_overlays_trampoline_lowered:
0x8: {  	[smem:$0x3FA6] =	sst s0  }
0x9: {  	[smem:$0x3FA7] =	sst s1  }
0xa: {  	[smem:$0x3FA8] =	sst s2  }
0xb: {  	[smem:$0x3FA9] =	sst s3  }
0xc: {  	[smem:$0x3FAA] =	sst s4  }
0xd: {  	[smem:$0x3FAB] =	sst s5  }
0xe: {  	[smem:$0x3FAC] =	sst s6  }
0xf: {  	[smem:$0x3FAD] =	sst s7  }
0x10: {  	[smem:$0x3FAE] =	sst s8  }
0x11: {  	[smem:$0x3FAF] =	sst s9;
	s0 =	simm.s32 @!p0 $0x0  }
0x12: {  	s1 =	sld [smem:$0x3F95];
	s0 =	simm.s32 @p0 $0x1  }
0x13: {  	[smem:$0x3FB0] =	sst s0;
	s0 =	simm.s32 @!p1 $0x0  }
0x14: {  	s2 =	sld [smem:$0x3F94];
	s0 =	simm.s32 @p1 $0x1  }
0x15: {  	[smem:$0x3FB1] =	sst s0;
	s0 =	simm.s32 @!p2 $0x0  }
0x16: {  	s3 =	sld [smem:$0x3FDB];
	s0 =	simm.s32 @p2 $0x1  }
0x17: {  	s4 =	simm.s32 $0x1BF5;
	[smem:$0x3FB3] =	sst s0  }
0x18: {  	s0 =	sld [smem:$0x3F96];
	_ =	swait.ge [sflag:s4], $0x0  }
0x19: {  	s7 =	sld [smem:$0x3F97]  }
0x1a: {  	s8 =	sadd.s32 $0xFFFFE003, lr  }
0x1b: {  	s9 =	sadd.s32 $0xFFFFFEF7, lr;
	s5 =	simm.s32 $0xFFFFFFFF;
	p2 =	slt.u32 s8, $0xFFFFF086  }
0x1c: {  	p1 =	slt.u32 s9, $0xF7A;
	s5 =	simm.s32 @!p2 $0x0  }
0x1d: {  	s5 =	simm.s32 @p1 $0x1;
	p0 =	seq.s32 s7, s2  }
0x1e: {  	s7 =	smul.u32 @!p0 $0xF7A, s2;
	p2 =	seq.s32 @!p0 s5, $0x0  }
0x1f: {  	s9 =	smul.u32 $0xF7A, s1;
	s8 =	simm.s32 @!p0 $0x1BF5;
	p2 =	por !p2, p0  }
0x20: {  	[sflag:s8] =	ssyncset.s32 @!p0 $0xFFFFF086;
	s6 =	sadd.s32 @!p0 s3, s7;
	s7 =	simm.s32 @!p0 $0x108  }
0x21: {  	s3 =	sadd.s32 s3, s9;
	s6 =	sadd.s32 @!p0 $0x88, s6;
	s7 =	simm.s32 @p2 $0x1082  }
0x22: {  	[simem:s7], [sflag:s8] =	dma.local @!p0 [hbm:s6], $0xF7A  }
0x23: {  	s9 =	sor.u32 $0xD0000000, s2;
	s6 =	simm.s32 $0x108;
	_ =	swait.ge @!p0 [sflag:s8], $0x0  }
0x24: {  	s3 =	sadd.s32 $0x88, s3;
	s6 =	simm.s32 @!p1 $0x1082;
	[sflag:s4] =	ssyncset.s32 $0xFFFFF086  }
0x25: {  	[simem:s6], [sflag:s4] =	dma.local [hbm:s3], $0xF7A  }
0x26: {  	[smem:$0x3F97] =	sst s1;
	(tag) =	ssettag s2;
	_ =	strace s9  }
0x27: {  	s1 =	sld [smem:$0x3FA7]  }
0x28: {  	s2 =	sld [smem:$0x3FA8]  }
0x29: {  	s4 =	sld [smem:$0x3FAA]  }
0x2a: {  	p0 =	seq.s32 s5, $0x0;
	s5 =	sld [smem:$0x3FAB]  }
0x2b: {  	s6 =	sld [smem:$0x3FAC]  }
0x2c: {  	s7 =	sld [smem:$0x3FAD]  }
0x2d: {  	s3 =	simm.s32 $0x108;
	s8 =	sld [smem:$0x3FAE]  }
0x2e: {  	s3 =	simm.s32 @!p0 $0x1082;
	s9 =	sld [smem:$0x3FAF]  }
0x2f: {  	lr =	sadd.s32 s0, s3;
	s0 =	sld [smem:$0x3FA6]  }
0x30: {  	s3 =	sld [smem:$0x3FA9]  }
0x31: {  	[smem:$0x3FB2] =	sst s10  }
0x32: {  	s10 =	sld [smem:$0x3FB0];
	_ =	sdelay $0x3  }
0x33: {  	p0 =	seq.s32 s10, $0x1;
	s10 =	sld [smem:$0x3FB2];
	_ =	sdelay $0x3  }
0x34: {  	[smem:$0x3FB2] =	sst s10  }
0x35: {  	s10 =	sld [smem:$0x3FB1];
	_ =	sdelay $0x3  }
0x36: {  	p1 =	seq.s32 s10, $0x1;
	s10 =	sld [smem:$0x3FB2];
	_ =	sdelay $0x3  }
0x37: {  	[smem:$0x3FB2] =	sst s10  }
0x38: {  	s10 =	sld [smem:$0x3FB3]  }
0x39: {  	_ = 	snop;
	(pc) =	sbr.ind lr, $3  }
0x3a: {  	_ = 	snop  }
0x3b: {  	_ = 	snop  }
0x3c: {  	p2 =	seq.s32 s10, $0x1;
	s10 =	sld [smem:$0x3FB2]  }
0x3d: {  	_ =	shalt  }
0x3e: {  	_ =	shalt  }
0x3f: {  	_ =	shalt  }
0x40: {  	_ =	shalt  }
0x41: {  	_ =	shalt  }
0x42: {  	_ =	shalt  }
0x43: {  	_ =	shalt  }
0x44: {  	_ =	shalt  }
0x45: {  	_ =	shalt  }
0x46: {  	_ =	shalt  }
0x47: {  	_ =	shalt  }
0x48: {  	_ =	shalt  }
0x49: {  	_ =	shalt  }
0x4a: {  	_ =	shalt  }
0x4b: {  	_ =	shalt  }
0x4c: {  	_ =	shalt  }
0x4d: {  	_ =	shalt  }
0x4e: {  	_ =	shalt  }
0x4f: {  	_ =	shalt  }
0x50: {  	_ =	shalt  }
0x51: {  	_ =	shalt  }
0x52: {  	_ =	shalt  }
0x53: {  	_ =	shalt  }
0x54: {  	_ =	shalt  }
0x55: {  	_ =	shalt  }
0x56: {  	_ =	shalt  }
0x57: {  	_ =	shalt  }
0x58: {  	_ =	shalt  }
0x59: {  	_ =	shalt  }
0x5a: {  	_ =	shalt  }
0x5b: {  	_ =	shalt  }
0x5c: {  	_ =	shalt  }
0x5d: {  	_ =	shalt  }
0x5e: {  	_ =	shalt  }
0x5f: {  	_ =	shalt  }
0x60: {  	_ =	shalt  }
0x61: {  	_ =	shalt  }
0x62: {  	_ =	shalt  }
0x63: {  	_ =	shalt  }
0x64: {  	_ =	shalt  }
0x65: {  	_ =	shalt  }
0x66: {  	_ =	shalt  }
0x67: {  	_ =	shalt  }
0x68: {  	_ =	shalt  }
0x69: {  	_ =	shalt  }
0x6a: {  	_ =	shalt  }
0x6b: {  	_ =	shalt  }
0x6c: {  	_ =	shalt  }
0x6d: {  	_ =	shalt  }
0x6e: {  	_ =	shalt  }
0x6f: {  	_ =	shalt  }
0x70: {  	_ =	shalt  }
0x71: {  	_ =	shalt  }
0x72: {  	_ =	shalt  }
0x73: {  	_ =	shalt  }
0x74: {  	_ =	shalt  }
0x75: {  	_ =	shalt  }
0x76: {  	_ =	shalt  }
0x77: {  	_ =	shalt  }
0x78: {  	_ =	shalt  }
0x79: {  	_ =	shalt  }
0x7a: {  	_ =	shalt  }
0x7b: {  	_ =	shalt  }
0x7c: {  	_ =	shalt  }
0x7d: {  	_ =	shalt  }
0x7e: {  	_ =	shalt  }
0x7f: {  	_ =	shalt  }
0x80: {  	_ =	shalt  }
0x81: {  	_ =	shalt  }
0x82: {  	_ =	shalt  }
0x83: {  	_ =	shalt  }
0x84: {  	_ =	shalt  }
0x85: {  	_ =	shalt  }
0x86: {  	_ =	shalt  }
0x87: {  	_ =	shalt  }
.Lfunc_end0:
.L_simem_size_0:
called_computation_lowered:
.L_overlay_start_0:
0x88: {  	s2 =	sld [smem:$0x3FD9]  }
0x89: {  	s3 =	sld [smem:$0x3FFE];
	_ =	sdelay $0x1  }
0x8a: {  	s1 =	srdreg.scid  }
0x8b: {  	s0 =	sand.u32 $0x1, s1  }
0x8c: {  	s15 =	sshll.u32 s0, $0xA;
	s2 =	sadd.s32 s3, s2  }
0x8d: {  	s2 =	sadd.s32 s2, s15  }
0x8e: {  	[smem:$0x3FBE] =	sst s2  }
0x8f: {  	_ = 	snop  }
0x90: {  	s2 =	sld [smem:$0x3FD0]  }
0x91: {  	s16 =	sld [smem:$0x3FC9]  }
0x92: {  	s4 =	sld [smem:$0x3FC7]  }
0x93: {  	s6 =	simm.s32 $0xA;
	s7 =	simm.s32 $0x10;
	s5 =	sld [smem:$0x3FC6]  }
0x94: {  	[smem:s7], [sflag:s6] =	dma.local [hbm:s2], $0x1  }
0x95: {  	_ =	swait.eq [sflag:s6], $0x1  }
0x96: {  	[sflag:s6] =	ssyncset.done $0x0  }
0x97: {  	s17 =	sld [smem:$0x10];
	[sflag:s6] =	ssyncadd.s32 $0xFFFFFFFF  }
0x98: {  	s18 =	sld [smem:$0x11];
	(tm) =	ssettm $0x1  }
0x99: {  	s19 =	sld [smem:$0x3FFB];
	_ =	sdelay $0x3  }
0x9a: {  	_ =	strace s19  }
0x9b: {  	s7 =	sld [smem:$0x3FFC];
	_ =	sdelay $0x3  }
0x9c: {  	_ =	strace s7  }
0x9d: {  	s7 =	sld [smem:$0x3FFD];
	_ =	sdelay $0x3  }
0x9e: {  	_ =	strace s7  }
0x9f: {  	_ =	strace $0x8FFFFFFF  }
0xa0: {  	s20 =	sld [smem:$0x3FDB];
	_ =	sdelay $0x1  }
0xa1: {  	s8 =	simm.s32 $_scs_section_size  }
0xa2: {  	s9 =	simm.s32 $_size__tile_overlayer_lowered;
	s10 =	simm.s32 $_tile_overlayer_lowered  }
0xa3: {  	s23 =	simm.s32 $0x1BFF;
	s22 =	sshll.u32 s10, $0x1;
	s7 =	sadd.s32 s8, s20  }
0xa4: {  	s11 =	simm.s32 $0x0;
	s21 =	sshll.u32 s9, $0x1;
	s9 =	sadd.s32 s22, s7  }
0xa5: {  	[timem:s11], [sflag:s23] =	dma.local [hbm:s9], s21  }
0xa6: {  	_ =	swait.ge [sflag:s23], s21  }
0xa7: {  	s8 =	ssub.s32 $0x0, s21;
	[sflag:s23] =	ssyncset.done $0x0  }
0xa8: {  	[sflag:s23] =	ssyncadd.s32 s8;
	_ =	sdelay $0x1  }
0xa9: {  	s24 =	simm.s32 $0x1B8B  }
0xaa: {  	_ =	swait.ge [sflag:s24], $0x1  }
0xab: {  	[sflag:s24] =	ssyncset.done $0x0  }
0xac: {  	s25 =	simm.s32 $0x1B8E;
	[sflag:s24] =	ssyncadd.s32 $0xFFFFFFFF  }
0xad: {  	s26 =	simm.s32 $execute0_lowered;
	[smem:$0x3FD2] =	sst s25  }
0xae: {  	s8 =	sshll.u32 s26, $0x1;
	_ =	strace $0x80000046;
	[dreg:$0x1] =	wrdreg $0xFFFFFFFF  }
0xaf: {  	s28 =	simm.s32 $_size_execute0_lowered;
	s7 =	sadd.s32 s7, s8;
	[dreg:$0x0] =	wrdreg $0x0  }
0xb0: {  	s8 =	sshll.u32 s28, $0x1;
	[dreg:$0x2] =	wrdreg s7  }
0xb1: {  	[dreg:$0x3] =	wrdreg s8  }
0xb2: {  	[dreg:$0x4] =	wrdreg $0xC0  }
0xb3: {  	_ =	task [dreg:s11], $0x5FFFF  }
0xb4: {  	[dreg:$0x1] =	wrdreg $0xFFFFFFFF  }
0xb5: {  	[dreg:$0x0] =	wrdreg $0x60  }
0xb6: {  	[dreg:$0x2] =	wrdreg s16  }
0xb7: {  	[dreg:$0x3] =	wrdreg s4  }
0xb8: {  	[dreg:$0x4] =	wrdreg s5  }
0xb9: {  	[dreg:$0x5] =	wrdreg s18  }
0xba: {  	[dreg:$0x6] =	wrdreg s17  }
0xbb: {  	[dreg:$0x7] =	wrdreg $0x9  }
0xbc: {  	_ =	task.clear_ibuf [dreg:s11], $0x8FFFF;
	_ =	strace $0x90000046  }
0xbd: {  	s29 =	simm.s32 $0x9;
	_ =	strace $0x80000048  }
0xbe: {  	_ =	swait.ge [sflag:s29], $0x1  }
0xbf: {  	[sflag:s29] =	ssyncadd.s32 $0xFFFFFFFF  }
0xc0: {  	_ =	strace $0x90000048  }
0xc1: {  	_ =	sfence  }
0xc2: {  	s30 =	sld [smem:$0x0];
	_ =	sdelay $0x2  }
0xc3: {  	s31 =	sshll.u32 s1, $0xD;
	s1 =	sshrl.u32 s1, $0x2  }
0xc4: {  	s3 =	sand.u32 $0x4000, s31;
	s1 =	sadd.s32 s1, s30  }
0xc5: {  	s0 =	sor.u32 s3, s0;
	s1 =	sshll.u32 s1, $0x11  }
0xc6: {  	s0 =	sor.u32 s1, s0  }
0xc7: {  	s0 =	sadd.s32 $0x8F2B, s0  }
0xc8: {  	[sflag:s0] =	ssyncadd.remote.s32 $0x1  }
0xc9: {  	_ =	sfence.sel $0xFFFF  }
0xca: {  	[dreg:$0x0] =	wrdreg $0xFFFFFFFF;
	(pc) =	sbr.abs _section_cstart, $3  }
0xcb: {  	[dreg:$0x1] =	wrdreg $0xFFFFFFFF  }
0xcc: {  	_ =	task.clear_ibuf [dreg:s11], $0x2FFFF;
	_ =	strace $0x9FFFFFFF  }
0xcd: {  	(tm) =	ssettm $0x7FFFFFFF  }
tec
execute0_lowered:
.L_overlay_start_1:
0x0: {  	(tag) =	ssettag $0x1  }
0x1: {  	s0 =	rddreg [dreg:$0x0]  }
0x2: {  	s4 =	rddreg [dreg:$0x1]  }
0x3: {  	s5 =	rddreg [dreg:$0x2]  }
0x4: {  	s6 =	rddreg [dreg:$0x3];
	s2 =	srdreg.scid  }
0x5: {  	s1 =	stileid.u32;
	s7 =	rddreg [dreg:$0x4];
	s3 =	simm.s32 $0x0  }
0x6: {  	s11 =	simm.s32 $0x4F00;
	s12 =	simm.s32 $0x7680;
	s13 =	simm.s32 $0x9E00  }
0x7: {  	s14 =	simm.s32 $0x0;
	s8 =	sand.u32 $0x1, s2;
	s9 =	sshll.u32 s1, $0x1  }
0x8: {  	s2 =	rddreg [dreg:$0x5];
	s9 =	sor.u32 s8, s9;
	s8 =	ssub.s32 $0x2, s8  }
0x9: {  	[smem:$0x7FF] =	sst s3;
	s9 =	smul.u32 $0x4E2, s9;
	s10 =	sshrl.u32 s8, $0x1  }
0xa: {  	_ =	strace $0x80000047;
	s8 =	ssub.s32 s8, s10;
	s10 =	simm.s32 $0x2780  }
0xb: {  	s4 =	sadd.s32 s4, s9;
	s5 =	sadd.s32 s5, s9;
	s6 =	sadd.s32 s6, s9  }
0xc: {  	s7 =	sadd.s32 s7, s9;
	s8 =	smax.u32 s8, $0x1;
	s9 =	simm.s32 $0x1  }
.LBB2_1:
0xd: {  	[tilespmem:s3], [sflag:$0x1] =	stream.linear.gather [hbm4b:s0+s3], $0x2780, $0x38;
	[tilespmem:$0xC580] =	vst v63  }
0xe: {  	_ =	swait.ge [sflag:s9], $0x2780  }
0xf: {  	[sflag:s9] =	ssyncset.done $0x0  }
0x10: {  	[sflag:s9] =	ssyncadd.s32 $0xFFFFD880  }
0x11: {  	[tilespmem:s10], [sflag:$0x1] =	stream.linear.gather [hbm4b:s4+s3], $0x2710, $0x38;
	[tilespmem:$0xC580] =	vst v63  }
0x12: {  	_ =	swait.ge [sflag:s9], $0x2710  }
0x13: {  	[sflag:s9] =	ssyncset.done $0x0  }
0x14: {  	[sflag:s9] =	ssyncadd.s32 $0xFFFFD8F0  }
0x15: {  	[tilespmem:s11], [sflag:$0x1] =	stream.linear.gather [hbm4b:s5+s3], $0x2710, $0x38;
	[tilespmem:$0xC580] =	vst v63  }
0x16: {  	s15 =	simm.s32 $0x2840;
	_ =	swait.ge [sflag:s9], $0x2710  }
0x17: {  	s16 =	simm.s32 $0x7740;
	s17 =	simm.s32 $0x4FC0;
	[sflag:s9] =	ssyncset.done $0x0  }
0x18: {  	s18 =	simm.s32 $0x9EC0;
	s19 =	simm.s32 $0x0;
	[sflag:s9] =	ssyncadd.s32 $0xFFFFD8F0  }
.LBB2_2:
0x19: {  	v0 =	vld [tilespmem:s15+$0xFFFFFF40];
	_ =	sdelay $0x7  }
0x1a: {  	v0 =	vld.idx.msk [tilespmem:v0+s3+$0x0], $0xffff;
	_ =	sdelay $0x4  }
0x1b: {  	[tilespmem:s16+$0xFFFFFF40] =	vst v0  }
0x1c: {  	v0 =	vld [tilespmem:s17+$0xFFFFFF40];
	_ =	sdelay $0x7  }
0x1d: {  	v0 =	vld.idx.msk [tilespmem:v0+s3+$0x0], $0xffff;
	_ =	sdelay $0x4  }
0x1e: {  	[tilespmem:s18+$0xFFFFFF40] =	vst v0  }
0x1f: {  	v0 =	vld [tilespmem:s15+$0xFFFFFF50];
	_ =	sdelay $0x7  }
0x20: {  	v0 =	vld.idx.msk [tilespmem:v0+s3+$0x0], $0xffff;
	_ =	sdelay $0x4  }
0x21: {  	[tilespmem:s16+$0xFFFFFF50] =	vst v0  }
0x22: {  	v0 =	vld [tilespmem:s17+$0xFFFFFF50];
	_ =	sdelay $0x7  }
0x23: {  	v0 =	vld.idx.msk [tilespmem:v0+s3+$0x0], $0xffff;
	_ =	sdelay $0x4  }
0x24: {  	[tilespmem:s18+$0xFFFFFF50] =	vst v0  }
0x25: {  	v0 =	vld [tilespmem:s15+$0xFFFFFF60];
	_ =	sdelay $0x7  }
0x26: {  	v0 =	vld.idx.msk [tilespmem:v0+s3+$0x0], $0xffff;
	_ =	sdelay $0x4  }
0x27: {  	[tilespmem:s16+$0xFFFFFF60] =	vst v0  }
0x28: {  	v0 =	vld [tilespmem:s17+$0xFFFFFF60];
	_ =	sdelay $0x7  }
0x29: {  	v0 =	vld.idx.msk [tilespmem:v0+s3+$0x0], $0xffff;
	_ =	sdelay $0x4  }
0x2a: {  	[tilespmem:s18+$0xFFFFFF60] =	vst v0  }
0x2b: {  	v0 =	vld [tilespmem:s15+$0xFFFFFF70];
	_ =	sdelay $0x7  }
0x2c: {  	v0 =	vld.idx.msk [tilespmem:v0+s3+$0x0], $0xffff;
	_ =	sdelay $0x4  }
0x2d: {  	[tilespmem:s16+$0xFFFFFF70] =	vst v0  }
0x2e: {  	v0 =	vld [tilespmem:s17+$0xFFFFFF70];
	_ =	sdelay $0x7  }
0x2f: {  	v0 =	vld.idx.msk [tilespmem:v0+s3+$0x0], $0xffff;
	_ =	sdelay $0x4  }
0x30: {  	[tilespmem:s18+$0xFFFFFF70] =	vst v0  }
0x31: {  	v0 =	vld [tilespmem:s15+$0xFFFFFF80];
	_ =	sdelay $0x7  }
0x32: {  	v0 =	vld.idx.msk [tilespmem:v0+s3+$0x0], $0xffff;
	_ =	sdelay $0x4  }
0x33: {  	[tilespmem:s16+$0xFFFFFF80] =	vst v0  }
0x34: {  	v0 =	vld [tilespmem:s17+$0xFFFFFF80];
	_ =	sdelay $0x7  }
0x35: {  	v0 =	vld.idx.msk [tilespmem:v0+s3+$0x0], $0xffff;
	_ =	sdelay $0x4  }
0x36: {  	[tilespmem:s18+$0xFFFFFF80] =	vst v0  }
0x37: {  	v0 =	vld [tilespmem:s15+$0xFFFFFF90];
	_ =	sdelay $0x7  }
0x38: {  	v0 =	vld.idx.msk [tilespmem:v0+s3+$0x0], $0xffff;
	_ =	sdelay $0x4  }
0x39: {  	[tilespmem:s16+$0xFFFFFF90] =	vst v0  }
0x3a: {  	v0 =	vld [tilespmem:s17+$0xFFFFFF90];
	_ =	sdelay $0x7  }
0x3b: {  	v0 =	vld.idx.msk [tilespmem:v0+s3+$0x0], $0xffff;
	_ =	sdelay $0x4  }
0x3c: {  	[tilespmem:s18+$0xFFFFFF90] =	vst v0  }
0x3d: {  	v0 =	vld [tilespmem:s15+$0xFFFFFFA0];
	_ =	sdelay $0x7  }
0x3e: {  	v0 =	vld.idx.msk [tilespmem:v0+s3+$0x0], $0xffff;
	_ =	sdelay $0x4  }
0x3f: {  	[tilespmem:s16+$0xFFFFFFA0] =	vst v0  }
0x40: {  	v0 =	vld [tilespmem:s17+$0xFFFFFFA0];
	_ =	sdelay $0x7  }
0x41: {  	v0 =	vld.idx.msk [tilespmem:v0+s3+$0x0], $0xffff;
	_ =	sdelay $0x4  }
0x42: {  	[tilespmem:s18+$0xFFFFFFA0] =	vst v0  }
0x43: {  	v0 =	vld [tilespmem:s15+$0xFFFFFFB0];
	_ =	sdelay $0x7  }
0x44: {  	v0 =	vld.idx.msk [tilespmem:v0+s3+$0x0], $0xffff;
	_ =	sdelay $0x4  }
0x45: {  	[tilespmem:s16+$0xFFFFFFB0] =	vst v0  }
0x46: {  	v0 =	vld [tilespmem:s17+$0xFFFFFFB0];
	_ =	sdelay $0x7  }
0x47: {  	v0 =	vld.idx.msk [tilespmem:v0+s3+$0x0], $0xffff;
	_ =	sdelay $0x4  }
0x48: {  	s20 =	sand.u32 $0x3FF0, s19;
	[tilespmem:s18+$0xFFFFFFB0] =	vst v0  }
0x49: {  	v0 =	vld [tilespmem:s20+$0x2800];
	_ =	sdelay $0x5  }
0x4a: {  	v1 =	vld [tilespmem:s20+$0x4F80];
	_ =	sdelay $0x1  }
0x4b: {  	v0 =	vld.idx.msk [tilespmem:v0+s3+$0x0], $0xffff;
	_ =	sdelay $0x4  }
0x4c: {  	[tilespmem:s20+$0x7700] =	vst v0  }
0x4d: {  	v0 =	vld.idx.msk [tilespmem:v1+s3+$0x0], $0xffff;
	_ =	sdelay $0x4  }
0x4e: {  	[tilespmem:s20+$0x9E80] =	vst v0  }
0x4f: {  	v0 =	vld [tilespmem:s15+$0xFFFFFFD0];
	_ =	sdelay $0x7  }
0x50: {  	v0 =	vld.idx.msk [tilespmem:v0+s3+$0x0], $0xffff;
	_ =	sdelay $0x4  }
0x51: {  	[tilespmem:s16+$0xFFFFFFD0] =	vst v0  }
0x52: {  	v0 =	vld [tilespmem:s17+$0xFFFFFFD0];
	_ =	sdelay $0x7  }
0x53: {  	v0 =	vld.idx.msk [tilespmem:v0+s3+$0x0], $0xffff;
	_ =	sdelay $0x4  }
0x54: {  	[tilespmem:s18+$0xFFFFFFD0] =	vst v0  }
0x55: {  	v0 =	vld [tilespmem:s15+$0xFFFFFFE0];
	_ =	sdelay $0x7  }
0x56: {  	v0 =	vld.idx.msk [tilespmem:v0+s3+$0x0], $0xffff;
	_ =	sdelay $0x4  }
0x57: {  	[tilespmem:s16+$0xFFFFFFE0] =	vst v0  }
0x58: {  	v0 =	vld [tilespmem:s17+$0xFFFFFFE0];
	_ =	sdelay $0x7  }
0x59: {  	v0 =	vld.idx.msk [tilespmem:v0+s3+$0x0], $0xffff;
	_ =	sdelay $0x4  }
0x5a: {  	[tilespmem:s18+$0xFFFFFFE0] =	vst v0  }
0x5b: {  	v0 =	vld [tilespmem:s15+$0xFFFFFFF0];
	_ =	sdelay $0x7  }
0x5c: {  	v0 =	vld.idx.msk [tilespmem:v0+s3+$0x0], $0xffff;
	_ =	sdelay $0x4  }
0x5d: {  	[tilespmem:s16+$0xFFFFFFF0] =	vst v0  }
0x5e: {  	v0 =	vld [tilespmem:s17+$0xFFFFFFF0];
	_ =	sdelay $0x7  }
0x5f: {  	v0 =	vld.idx.msk [tilespmem:v0+s3+$0x0], $0xffff;
	_ =	sdelay $0x4  }
0x60: {  	[tilespmem:s18+$0xFFFFFFF0] =	vst v0  }
0x61: {  	v0 =	vld [tilespmem:s15+$0x0];
	_ =	sdelay $0x7  }
0x62: {  	v0 =	vld.idx.msk [tilespmem:v0+s3+$0x0], $0xffff;
	_ =	sdelay $0x4  }
0x63: {  	[tilespmem:s16+$0x0] =	vst v0  }
0x64: {  	v0 =	vld [tilespmem:s17+$0x0];
	_ =	sdelay $0x7  }
0x65: {  	v0 =	vld.idx.msk [tilespmem:v0+s3+$0x0], $0xffff;
	_ =	sdelay $0x4  }
0x66: {  	[tilespmem:s18+$0x0] =	vst v0  }
0x67: {  	v0 =	vld [tilespmem:s15+$0x10];
	_ =	sdelay $0x7  }
0x68: {  	v0 =	vld.idx.msk [tilespmem:v0+s3+$0x0], $0xffff;
	_ =	sdelay $0x4  }
0x69: {  	[tilespmem:s16+$0x10] =	vst v0  }
0x6a: {  	v0 =	vld [tilespmem:s17+$0x10];
	_ =	sdelay $0x7  }
0x6b: {  	v0 =	vld.idx.msk [tilespmem:v0+s3+$0x0], $0xffff;
	_ =	sdelay $0x4  }
0x6c: {  	[tilespmem:s18+$0x10] =	vst v0  }
0x6d: {  	v0 =	vld [tilespmem:s15+$0x20];
	_ =	sdelay $0x7  }
0x6e: {  	v0 =	vld.idx.msk [tilespmem:v0+s3+$0x0], $0xffff;
	_ =	sdelay $0x4  }
0x6f: {  	[tilespmem:s16+$0x20] =	vst v0  }
0x70: {  	v0 =	vld [tilespmem:s17+$0x20];
	_ =	sdelay $0x7  }
0x71: {  	v0 =	vld.idx.msk [tilespmem:v0+s3+$0x0], $0xffff;
	_ =	sdelay $0x4  }
0x72: {  	[tilespmem:s18+$0x20] =	vst v0  }
0x73: {  	v0 =	vld [tilespmem:s15+$0x30];
	_ =	sdelay $0x7  }
0x74: {  	v0 =	vld.idx.msk [tilespmem:v0+s3+$0x0], $0xffff;
	_ =	sdelay $0x4  }
0x75: {  	[tilespmem:s16+$0x30] =	vst v0  }
0x76: {  	v0 =	vld [tilespmem:s17+$0x30];
	_ =	sdelay $0x7  }
0x77: {  	v0 =	vld.idx.msk [tilespmem:v0+s3+$0x0], $0xffff;
	_ =	sdelay $0x4  }
0x78: {  	[tilespmem:s18+$0x30] =	vst v0  }
0x79: {  	v0 =	vld [tilespmem:s20+$0x2880];
	_ =	sdelay $0x5  }
0x7a: {  	v62 =	vld [tilespmem:s20+$0x5000];
	_ =	sdelay $0x1  }
0x7b: {  	v0 =	vld.idx.msk [tilespmem:v0+s3+$0x0], $0xffff;
	_ =	sdelay $0x4  }
0x7c: {  	[tilespmem:s20+$0x7780] =	vst v0  }
0x7d: {  	v0 =	vld.idx.msk [tilespmem:v62+s3+$0x0], $0xffff;
	_ =	sdelay $0x4  }
0x7e: {  	[tilespmem:s20+$0x9F00] =	vst v0  }
0x7f: {  	v0 =	vld [tilespmem:s15+$0x50];
	_ =	sdelay $0x7  }
0x80: {  	v0 =	vld.idx.msk [tilespmem:v0+s3+$0x0], $0xffff;
	_ =	sdelay $0x4  }
0x81: {  	[tilespmem:s16+$0x50] =	vst v0  }
0x82: {  	v0 =	vld [tilespmem:s17+$0x50];
	_ =	sdelay $0x7  }
0x83: {  	v0 =	vld.idx.msk [tilespmem:v0+s3+$0x0], $0xffff;
	_ =	sdelay $0x4  }
0x84: {  	[tilespmem:s18+$0x50] =	vst v0  }
0x85: {  	v0 =	vld [tilespmem:s15+$0x60];
	_ =	sdelay $0x7  }
0x86: {  	v0 =	vld.idx.msk [tilespmem:v0+s3+$0x0], $0xffff;
	_ =	sdelay $0x4  }
0x87: {  	[tilespmem:s16+$0x60] =	vst v0  }
0x88: {  	v0 =	vld [tilespmem:s17+$0x60];
	_ =	sdelay $0x7  }
0x89: {  	v0 =	vld.idx.msk [tilespmem:v0+s3+$0x0], $0xffff;
	_ =	sdelay $0x4  }
0x8a: {  	[tilespmem:s18+$0x60] =	vst v0  }
0x8b: {  	v0 =	vld [tilespmem:s15+$0x70];
	_ =	sdelay $0x7  }
0x8c: {  	v0 =	vld.idx.msk [tilespmem:v0+s3+$0x0], $0xffff;
	_ =	sdelay $0x4  }
0x8d: {  	[tilespmem:s16+$0x70] =	vst v0  }
0x8e: {  	v0 =	vld [tilespmem:s17+$0x70];
	_ =	sdelay $0x7  }
0x8f: {  	v0 =	vld.idx.msk [tilespmem:v0+s3+$0x0], $0xffff;
	_ =	sdelay $0x4  }
0x90: {  	[tilespmem:s18+$0x70] =	vst v0  }
0x91: {  	v0 =	vld [tilespmem:s15+$0x80];
	_ =	sdelay $0x7  }
0x92: {  	v0 =	vld.idx.msk [tilespmem:v0+s3+$0x0], $0xffff;
	_ =	sdelay $0x4  }
0x93: {  	[tilespmem:s16+$0x80] =	vst v0  }
0x94: {  	v0 =	vld [tilespmem:s17+$0x80];
	_ =	sdelay $0x7  }
0x95: {  	v0 =	vld.idx.msk [tilespmem:v0+s3+$0x0], $0xffff;
	_ =	sdelay $0x4  }
0x96: {  	[tilespmem:s18+$0x80] =	vst v0  }
0x97: {  	v0 =	vld [tilespmem:s15+$0x90];
	_ =	sdelay $0x7  }
0x98: {  	v0 =	vld.idx.msk [tilespmem:v0+s3+$0x0], $0xffff;
	_ =	sdelay $0x4  }
0x99: {  	[tilespmem:s16+$0x90] =	vst v0  }
0x9a: {  	v0 =	vld [tilespmem:s17+$0x90];
	_ =	sdelay $0x7  }
0x9b: {  	v0 =	vld.idx.msk [tilespmem:v0+s3+$0x0], $0xffff;
	_ =	sdelay $0x4  }
0x9c: {  	[tilespmem:s18+$0x90] =	vst v0  }
0x9d: {  	v0 =	vld [tilespmem:s15+$0xA0];
	_ =	sdelay $0x7  }
0x9e: {  	v0 =	vld.idx.msk [tilespmem:v0+s3+$0x0], $0xffff;
	_ =	sdelay $0x4  }
0x9f: {  	[tilespmem:s16+$0xA0] =	vst v0  }
0xa0: {  	v0 =	vld [tilespmem:s17+$0xA0];
	_ =	sdelay $0x7  }
0xa1: {  	v0 =	vld.idx.msk [tilespmem:v0+s3+$0x0], $0xffff;
	_ =	sdelay $0x4  }
0xa2: {  	[tilespmem:s18+$0xA0] =	vst v0  }
0xa3: {  	v0 =	vld [tilespmem:s15+$0xB0];
	_ =	sdelay $0x7  }
0xa4: {  	v0 =	vld.idx.msk [tilespmem:v0+s3+$0x0], $0xffff;
	_ =	sdelay $0x4  }
0xa5: {  	[tilespmem:s16+$0xB0] =	vst v0  }
0xa6: {  	v0 =	vld [tilespmem:s17+$0xB0];
	_ =	sdelay $0x7  }
0xa7: {  	v0 =	vld.idx.msk [tilespmem:v0+s3+$0x0], $0xffff;
	_ =	sdelay $0x4  }
0xa8: {  	[tilespmem:s18+$0xB0] =	vst v0  }
0xa9: {  	v0 =	vld [tilespmem:s20+$0x2900];
	_ =	sdelay $0x5  }
0xaa: {  	v63 =	vld [tilespmem:s20+$0x5080];
	_ =	sdelay $0x1  }
0xab: {  	v0 =	vld.idx.msk [tilespmem:v0+s3+$0x0], $0xffff;
	_ =	sdelay $0x4  }
0xac: {  	[tilespmem:s20+$0x7800] =	vst v0  }
0xad: {  	p0 =	sne.s32 s19, $0x2580;
	v0 =	vld.idx.msk [tilespmem:v63+s3+$0x0], $0xffff  }
.Ltmp0:
0xae: {  	_ = 	snop;
	(pc) =	sbr.rel @p0 .LBB2_2-.Ltmp0, $3  }
0xaf: {  	_ =	sdelay $0x1  }
0xb0: {  	s19 =	sadd.s32 $0x190, s19;
	s15 =	sadd.s32 $0x190, s15  }
0xb1: {  	s16 =	sadd.s32 $0x190, s16;
	s17 =	sadd.s32 $0x190, s17;
	s18 =	sadd.s32 $0x190, s18;
	[tilespmem:s20+$0x9F80] =	vst v0  }
0xb2: {  	[hbm4b:s6+s3] =	stream.linear.scatter [tilespmem:s12], [sflag:$0x1], $0x2710, $0x38;
	[tilespmem:$0xC580] =	vst v63  }
0xb3: {  	s14 =	sadd.s32 $0x1, s14;
	_ =	swait.ge [sflag:s9], $0x2710  }
0xb4: {  	p0 =	sne.s32 s14, s8;
	[sflag:s9] =	ssyncset.done $0x0  }
.Ltmp1:
0xb5: {  	[sflag:s9] =	ssyncadd.s32 $0xFFFFD8F0;
	(pc) =	sbr.rel @p0 .LBB2_1-.Ltmp1, $4  }
0xb6: {  	[hbm4b:s7+s3] =	stream.linear.scatter [tilespmem:s13], [sflag:$0x1], $0x2710, $0x38;
	[tilespmem:$0xC580] =	vst v63  }
0xb7: {  	_ =	swait.ge [sflag:s9], $0x2710  }
0xb8: {  	[sflag:s9] =	ssyncset.done $0x0  }
0xb9: {  	[sflag:s9] =	ssyncadd.s32 $0xFFFFD8F0  }
0xba: {  	_ =	sfence.sel $0x180000  }
0xbb: {  	[bflag:$0x0] =	sbarrier.arrive $0xFFFF  }
0xbc: {  	p0 =	sne.s32 s1, $0x0;
	_ =	strace $0x90000047  }
0xbd: {  	s0 =	sadd.s32 @!p0 $0x100000, s2;
	[bflag:$0x2] =	sbarrier.arrive $0xFFFF  }
0xbe: {  	[sflag:s0] =	ssyncadd.tile.s32 @!p0 $0x1;
	_ =	shalt  }
.Lfunc_end2:
_tile_overlayer_lowered:
.L_overlay_start_2:
0xbf: {  	(tag) =	ssettag $0x2  }
0xc0: {  	s0 =	rddreg [dreg:$0x0];
	s2 =	stileid.u32  }
0xc1: {  	s1 =	rddreg [dreg:$0x1];
	p0 =	sne.s32 s2, $0x0  }
0xc2: {  	s3 =	rddreg [dreg:$0x2];
	[bflag:$0x3] =	sbarrier.arrive $0xFFFF;
	s2 =	simm.s32 @!p0 $0x1C01  }
0xc3: {  	[timem:s3], [sflag:s2] =	dma.local @!p0 [hbm:s0], s1  }
0xc4: {  	s0 =	simm.s32 @!p0 $0x1  }
0xc5: {  	_ =	swait.ge @!p0 [sflag:s0], s1  }
0xc6: {  	s1 =	ssub.s32 @!p0 $0x0, s1;
	[sflag:s0] =	ssyncset.done @!p0 $0x0  }
0xc7: {  	[sflag:s0] =	ssyncadd.s32 @!p0 s1  }
0xc8: {  	[bflag:$0x3] =	sbarrier.arrive $0xFFFF  }
0xc9: {  	_ =	shalt  }

</sc_bundles>
